<compile_context>
chip_gen: v7x
topology: tpu7x:2x2x1
jax: 0.10.2.dev20260603
libtpu: 0.0.44.dev20260713+nightly
codegen_flags: <defaults>
</compile_context>

<pallas_src>
import functools

import jax
import jax.numpy as jnp
import numpy as np
from jax import lax
from jax.experimental import pallas as pl
from jax.experimental.pallas import tpu as pltpu
from jax.experimental.pallas import tpu_sc as plsc

_N = 10000
_D = 128
_E = 320000

_NC = 2
_NS = 16
_NW = _NC * _NS

_GROUP = 128
_GPT = (_E // _GROUP) // _NW
_GCHUNK = 39
_NCHUNKS = _GPT // _GCHUNK
_TAIL0 = _NW * _GPT * _GROUP
_TAIL_TILES = (_E - _TAIL0) // _GROUP

_N_PAD = 10240
_ROWS_PER_TILE = _N_PAD // _NS
_RCHUNK = 128
_RCOPIES = _ROWS_PER_TILE // _RCHUNK



def _agg_body(z_hbm, ei_hbm, zero_hbm, out_hbm,
              idx_v, rows0_v, rows1_v, acc_sh,
              sg0, sg1, sw0, sw1):
    c = lax.axis_index("c")
    s = lax.axis_index("s")
    wid = c * _NS + s
    row0 = s * _ROWS_PER_TILE
    e0 = wid * _GPT * _GROUP
    ec = _GCHUNK * _GROUP

    def gather(g, buf, sem):
        pltpu.async_copy(
            z_hbm.at[idx_v.at[0, pl.ds(g * _GROUP, _GROUP)]], buf, sem)

    def gwait(g, buf, sem):
        pltpu.make_async_copy(
            z_hbm.at[idx_v.at[0, pl.ds(g * _GROUP, _GROUP)]], buf, sem).wait()

    def scat(g, buf):
        pltpu.sync_copy(
            buf, acc_sh.at[idx_v.at[1, pl.ds(g * _GROUP, _GROUP)]], add=True)

    def stage(off, n):
        pltpu.sync_copy(ei_hbm.at[pl.ds(0, 2), pl.ds(off, n)],
                        idx_v.at[pl.ds(0, 2), pl.ds(0, n)])

    stage(e0, ec)
    gather(0, rows0_v, sg0)

    pltpu.sync_copy(zero_hbm, rows1_v)
    for r in range(_RCOPIES):
        pltpu.async_copy(rows1_v, acc_sh.at[pl.ds(row0 + r * _RCHUNK, _RCHUNK)],
                         sw0)
    for r in range(_RCOPIES):
        pltpu.make_async_copy(
            rows1_v, acc_sh.at[pl.ds(row0 + r * _RCHUNK, _RCHUNK)], sw0).wait()

    plsc.subcore_barrier()

    def run_pipeline():
        def body(i, carry):
            ga = 2 * i
            gwait(ga, rows0_v, sg0)
            gather(ga + 1, rows1_v, sg1)
            scat(ga, rows0_v)
            gwait(ga + 1, rows1_v, sg1)
            gather(ga + 2, rows0_v, sg0)
            scat(ga + 1, rows1_v)
            return carry

        lax.fori_loop(0, (_GCHUNK - 1) // 2, body, 0, unroll=False)
        gwait(_GCHUNK - 1, rows0_v, sg0)
        scat(_GCHUNK - 1, rows0_v)

    run_pipeline()
    for h in range(1, _NCHUNKS):
        stage(e0 + h * ec, ec)
        gather(0, rows0_v, sg0)
        run_pipeline()

    @pl.when(wid < _TAIL_TILES)
    def _tail():
        stage(_TAIL0 + wid * _GROUP, _GROUP)
        gather(0, rows0_v, sg0)
        gwait(0, rows0_v, sg0)
        scat(0, rows0_v)

    plsc.subcore_barrier()

    bufs = (rows0_v, rows1_v)
    sems = (sw0, sw1)
    for r in range(_RCOPIES):
        rr = row0 + r * _RCHUNK
        buf, sem = bufs[r % 2], sems[r % 2]
        if r >= 2:
            pr = row0 + (r - 2) * _RCHUNK
            pltpu.make_async_copy(buf, out_hbm.at[c, pl.ds(pr, _RCHUNK)],
                                  sem).wait()
        pltpu.sync_copy(acc_sh.at[pl.ds(rr, _RCHUNK)], buf)
        pltpu.async_copy(buf, out_hbm.at[c, pl.ds(rr, _RCHUNK)], sem)
    for r in range(_RCOPIES - 2, _RCOPIES):
        rr = row0 + r * _RCHUNK
        buf, sem = bufs[r % 2], sems[r % 2]
        pltpu.make_async_copy(buf, out_hbm.at[c, pl.ds(rr, _RCHUNK)],
                              sem).wait()


@jax.jit
def _aggregate(z, edge_index, zero_blk):
    mesh = plsc.VectorSubcoreMesh(core_axis_name="c", subcore_axis_name="s")
    return pl.kernel(
        _agg_body,
        out_type=jax.ShapeDtypeStruct((_NC, _N_PAD, _D), jnp.float32),
        mesh=mesh,
        scratch_types=[
            pltpu.VMEM((2, _GCHUNK * _GROUP), jnp.int32),
            pltpu.VMEM((_GROUP, _D), jnp.float32),
            pltpu.VMEM((_GROUP, _D), jnp.float32),
            pltpu.VMEM_SHARED((_N_PAD, _D), jnp.float32),
            pltpu.SemaphoreType.DMA,
            pltpu.SemaphoreType.DMA,
            pltpu.SemaphoreType.DMA,
            pltpu.SemaphoreType.DMA,
        ],
    )(z, edge_index, zero_blk)


def _mlp_body(z_ref, p_ref, w1_ref, b1_ref, w2_ref, b2_ref, o_ref):
    p = p_ref[...]
    a = z_ref[...] + (p[0] + p[1])
    h = jnp.dot(a, w1_ref[...], preferred_element_type=jnp.float32) + b1_ref[...]
    h = jnp.maximum(h, 0.0)
    o = jnp.dot(h, w2_ref[...], preferred_element_type=jnp.float32) + b2_ref[...]
    o_ref[...] = jnp.maximum(o, 0.0)


_MLP_BLK = 1000


@jax.jit
def _mlp(z, parts, W1, b1, W2, b2):
    grid = (_N // _MLP_BLK,)
    row_spec = pl.BlockSpec((_MLP_BLK, _D), lambda i: (i, 0))
    part_spec = pl.BlockSpec((_NC, _MLP_BLK, _D), lambda i: (0, i, 0))
    full = pl.BlockSpec((_D, _D), lambda i: (0, 0))
    bias = pl.BlockSpec((1, _D), lambda i: (0, 0))
    return pl.pallas_call(
        _mlp_body,
        grid=grid,
        in_specs=[row_spec, part_spec, full, bias, full, bias],
        out_specs=row_spec,
        out_shape=jax.ShapeDtypeStruct((_N, _D), jnp.float32),
    )(z, parts, W1, b1.reshape(1, _D), W2, b2.reshape(1, _D))


def kernel(x, edge_index, W1a, b1a, W2a, b2a, W1b, b1b, W2b, b2b):
    zero_blk = jnp.zeros((_GROUP, _D), jnp.float32)
    p1 = _aggregate(x, edge_index, zero_blk)
    z1 = _mlp(x, p1, W1a, b1a, W2a, b2a)
    p2 = _aggregate(z1, edge_index, zero_blk)
    return _mlp(z1, p2, W1b, b1b, W2b, b2b)

# --- scband reference (transcript-rebuilt; emitter-appended) ---
"""Pipeline reference for scband-encoder-18442589569879 (READ-ONLY COPY).

The authoritative reference and input builder live on the scoring server;
editing this copy changes nothing except your own understanding.
"""

import jax, jax.numpy as jnp
import numpy as np

N = 10000
E = 320000
D = 128
H = 128


def setup_inputs(seed: int = 0) -> dict:
    key = jax.random.key(seed)
    ks = jax.random.split(key, 12)
    x = jax.random.normal(ks[0], (N, D), dtype=jnp.float32)
    edge_index = jax.random.randint(ks[1], (2, E), 0, N, dtype=jnp.int32)
    s = 0.05
    W1a = jax.random.normal(ks[2], (D, H), dtype=jnp.float32) * s
    b1a = jnp.zeros((H,), dtype=jnp.float32)
    W2a = jax.random.normal(ks[3], (H, H), dtype=jnp.float32) * s
    b2a = jnp.zeros((H,), dtype=jnp.float32)
    W1b = jax.random.normal(ks[4], (H, H), dtype=jnp.float32) * s
    b1b = jnp.zeros((H,), dtype=jnp.float32)
    W2b = jax.random.normal(ks[5], (H, H), dtype=jnp.float32) * s
    b2b = jnp.zeros((H,), dtype=jnp.float32)
    return {"x": x, "edge_index": edge_index, "W1a": W1a, "b1a": b1a, "W2a": W2a, "b2a": b2a, "W1b": W1b, "b1b": b1b, "W2b": W2b, "b2b": b2b}


def _gin_layer(z, src, dst, W1, b1, W2, b2):
    # GINConv: MLP((1 + eps) * x + sum_{j in N(i)} x_j), eps = 0 (default)
    agg = jnp.zeros_like(z).at[dst].add(z[src])
    h = (z + agg) @ W1 + b1
    h = jax.nn.relu(h)  # ReLU inside GIN MLP
    h = h @ W2 + b2
    return h


def reference(x, edge_index, W1a, b1a, W2a, b2a, W1b, b1b, W2b, b2b):
    src = edge_index[0]
    dst = edge_index[1]
    z = _gin_layer(x, src, dst, W1a, b1a, W2a, b2a)
    z = jax.nn.relu(z)  # Encoder activation after conv 1
    z = _gin_layer(z, src, dst, W1b, b1b, W2b, b2b)
    z = jax.nn.relu(z)  # Encoder activation after conv 2
    return z

if __name__ == "__main__":
    import jax
    _d = setup_inputs()
    print(jax.jit(kernel)(*tuple(_d.values())))

</pallas_src>

<mosaic_0001>
#map = affine_map<(d0, d1) -> (0, 0)>
#map1 = affine_map<(d0, d1) -> (0, 0, 0)>
module attributes {stable_mosaic.version = 14 : i64} {
  func.func @_agg_body(%arg0: i32, %arg1: i32, %arg2: memref<10000x128xf32, #tpu.memory_space<hbm>>, %arg3: memref<2x320000xi32, #tpu.memory_space<hbm>>, %arg4: memref<128x128xf32, #tpu.memory_space<hbm>>, %arg5: memref<2x10240x128xf32, #tpu.memory_space<hbm>>, %arg6: memref<2x4992xi32, #tpu.memory_space<vmem>>, %arg7: memref<128x128xf32, #tpu.memory_space<vmem>>, %arg8: memref<128x128xf32, #tpu.memory_space<vmem>>, %arg9: memref<10240x128xf32, #tpu.memory_space<vmem_shared>>, %arg10: memref<!tpu.dma_semaphore, #tpu.memory_space<semaphore_mem>>, %arg11: memref<!tpu.dma_semaphore, #tpu.memory_space<semaphore_mem>>, %arg12: memref<!tpu.dma_semaphore, #tpu.memory_space<semaphore_mem>>, %arg13: memref<!tpu.dma_semaphore, #tpu.memory_space<semaphore_mem>>) attributes {dimension_semantics = [#tpu.dimension_semantics<core_parallel>, #tpu.dimension_semantics<subcore_parallel>], iteration_bounds = array<i64: 2, 16>, scalar_prefetch = 0 : i64, scratch_operands = 8 : i64, tpu.core_type = #tpu.core_type<sc_vector_subcore>, window_params = [{transform_indices = #map}, {transform_indices = #map}, {transform_indices = #map}, {transform_indices = #map1}]} {
    %mul3A = arith.constant 16 : i32
    %mul3A_0 = arith.muli %arg0, %mul3A : i32
    %add3A = arith.addi %mul3A_0, %arg1 : i32
    %mul3A_1 = arith.constant 640 : i32
    %mul3A_2 = arith.muli %arg1, %mul3A_1 : i32
    %mul3A_3 = arith.constant 78 : i32
    %mul3A_4 = arith.muli %add3A, %mul3A_3 : i32
    %mul3A_5 = arith.constant 128 : i32
    %mul3A_6 = arith.muli %mul3A_4, %mul3A_5 : i32
    "tpu.region"() ({
      %run_scoped3A_190 = tpu.sem_alloc : memref<!tpu.dma_semaphore, #tpu.memory_space<semaphore_mem>>
      %dma_start3A_191 = arith.constant 0 : i32
      %dma_start3A_192 = arith.constant 0 : i32
      %dma_start3A_193 = tpu.memref_slice %arg6[%dma_start3A_191, %dma_start3A_192] : memref<2x4992xi32, #tpu.memory_space<vmem>> -> memref<2x4992xi32, #tpu.memory_space<vmem>>
      %dma_start3A_194 = arith.constant 0 : i32
      %dma_start3A_195 = tpu.memref_slice %arg3[%dma_start3A_194, %mul3A_6] : memref<2x320000xi32, #tpu.memory_space<hbm>> -> memref<2x4992xi32, #tpu.memory_space<hbm>>
      %dma_start3A_196 = arith.constant 0 : i32
      %dma_start3A_197 = arith.constant 0 : i32
      %dma_start3A_198 = tpu.memref_slice %arg6[%dma_start3A_196, %dma_start3A_197] : memref<2x4992xi32, #tpu.memory_space<vmem>> -> memref<2x4992xi32, #tpu.memory_space<vmem>>
      %dma_start3A_199 = arith.constant 0 : i32
      %dma_start3A_200 = tpu.memref_slice %arg3[%dma_start3A_199, %mul3A_6] : memref<2x320000xi32, #tpu.memory_space<hbm>> -> memref<2x4992xi32, #tpu.memory_space<hbm>>
      tpu.enqueue_dma source(%dma_start3A_200 : memref<2x4992xi32, #tpu.memory_space<hbm>>) target(%dma_start3A_198 : memref<2x4992xi32, #tpu.memory_space<vmem>>) target_semaphore(%run_scoped3A_190 : memref<!tpu.dma_semaphore, #tpu.memory_space<semaphore_mem>>)
      %dma_wait3A_201 = arith.constant 0 : i32
      %dma_wait3A_202 = arith.constant 0 : i32
      %dma_wait3A_203 = tpu.memref_slice %arg6[%dma_wait3A_201, %dma_wait3A_202] : memref<2x4992xi32, #tpu.memory_space<vmem>> -> memref<2x4992xi32, #tpu.memory_space<vmem>>
      %dma_wait3A_204 = arith.constant 0 : i32
      %dma_wait3A_205 = tpu.memref_slice %arg3[%dma_wait3A_204, %mul3A_6] : memref<2x320000xi32, #tpu.memory_space<hbm>> -> memref<2x4992xi32, #tpu.memory_space<hbm>>
      %dma_wait3A_206 = arith.constant 0 : i32
      %dma_wait3A_207 = arith.constant 0 : i32
      %dma_wait3A_208 = tpu.memref_slice %arg6[%dma_wait3A_206, %dma_wait3A_207] : memref<2x4992xi32, #tpu.memory_space<vmem>> -> memref<2x4992xi32, #tpu.memory_space<vmem>>
      %dma_wait3A_209 = arith.constant 0 : i32
      %dma_wait3A_210 = tpu.memref_slice %arg3[%dma_wait3A_209, %mul3A_6] : memref<2x320000xi32, #tpu.memory_space<hbm>> -> memref<2x4992xi32, #tpu.memory_space<hbm>>
      tpu.wait_dma2 semaphore(%run_scoped3A_190 : memref<!tpu.dma_semaphore, #tpu.memory_space<semaphore_mem>>) src(%dma_wait3A_210 : memref<2x4992xi32, #tpu.memory_space<hbm>>) dst(%dma_wait3A_208 : memref<2x4992xi32, #tpu.memory_space<vmem>>)
      tpu.yield
    }) : () -> ()
    %dma_start3A = arith.constant 0 : i32
    %dma_start3A_7 = arith.constant 0 : i32
    %dma_start3A_8 = tpu.memref_slice %arg6[%dma_start3A, %dma_start3A_7] : memref<2x4992xi32, #tpu.memory_space<vmem>> -> memref<1x128xi32, #tpu.memory_space<vmem>>
    %dma_start3A_9 = tpu.memref_squeeze %dma_start3A_8 : memref<1x128xi32, #tpu.memory_space<vmem>> -> memref<128xi32, #tpu.memory_space<vmem>>
    %dma_start3A_10 = arith.constant 0 : i32
    %dma_start3A_11 = arith.constant 0 : i32
    %dma_start3A_12 = tpu.memref_slice %arg2[%dma_start3A_10, %dma_start3A_11] : memref<10000x128xf32, #tpu.memory_space<hbm>> -> memref<10000x128xf32, #tpu.memory_space<hbm>>
    tpu.enqueue_indirect_dma source(%dma_start3A_12 : memref<10000x128xf32, #tpu.memory_space<hbm>>) target(%arg7 : memref<128x128xf32, #tpu.memory_space<vmem>>) offsets(%dma_start3A_9 : memref<128xi32, #tpu.memory_space<vmem>>) semaphore(%arg10 : memref<!tpu.dma_semaphore, #tpu.memory_space<semaphore_mem>>)
    "tpu.region"() ({
      %run_scoped3A_190 = tpu.sem_alloc : memref<!tpu.dma_semaphore, #tpu.memory_space<semaphore_mem>>
      tpu.enqueue_dma source(%arg4 : memref<128x128xf32, #tpu.memory_space<hbm>>) target(%arg8 : memref<128x128xf32, #tpu.memory_space<vmem>>) target_semaphore(%run_scoped3A_190 : memref<!tpu.dma_semaphore, #tpu.memory_space<semaphore_mem>>)
      tpu.wait_dma2 semaphore(%run_scoped3A_190 : memref<!tpu.dma_semaphore, #tpu.memory_space<semaphore_mem>>) src(%arg4 : memref<128x128xf32, #tpu.memory_space<hbm>>) dst(%arg8 : memref<128x128xf32, #tpu.memory_space<vmem>>)
      tpu.yield
    }) : () -> ()
    %add3A_13 = arith.constant 0 : i32
    %add3A_14 = arith.addi %mul3A_2, %add3A_13 : i32
    %dma_start3A_15 = arith.constant 0 : i32
    %dma_start3A_16 = tpu.memref_slice %arg9[%add3A_14, %dma_start3A_15] : memref<10240x128xf32, #tpu.memory_space<vmem_shared>> -> memref<128x128xf32, #tpu.memory_space<vmem_shared>>
    %dma_start3A_17 = arith.constant 0 : i32
    %dma_start3A_18 = tpu.memref_slice %arg9[%add3A_14, %dma_start3A_17] : memref<10240x128xf32, #tpu.memory_space<vmem_shared>> -> memref<128x128xf32, #tpu.memory_space<vmem_shared>>
    tpu.enqueue_dma source(%arg8 : memref<128x128xf32, #tpu.memory_space<vmem>>) target(%dma_start3A_18 : memref<128x128xf32, #tpu.memory_space<vmem_shared>>) target_semaphore(%arg12 : memref<!tpu.dma_semaphore, #tpu.memory_space<semaphore_mem>>)
    %add3A_19 = arith.constant 128 : i32
    %add3A_20 = arith.addi %mul3A_2, %add3A_19 : i32
    %dma_start3A_21 = arith.constant 0 : i32
    %dma_start3A_22 = tpu.memref_slice %arg9[%add3A_20, %dma_start3A_21] : memref<10240x128xf32, #tpu.memory_space<vmem_shared>> -> memref<128x128xf32, #tpu.memory_space<vmem_shared>>
    %dma_start3A_23 = arith.constant 0 : i32
    %dma_start3A_24 = tpu.memref_slice %arg9[%add3A_20, %dma_start3A_23] : memref<10240x128xf32, #tpu.memory_space<vmem_shared>> -> memref<128x128xf32, #tpu.memory_space<vmem_shared>>
    tpu.enqueue_dma source(%arg8 : memref<128x128xf32, #tpu.memory_space<vmem>>) target(%dma_start3A_24 : memref<128x128xf32, #tpu.memory_space<vmem_shared>>) target_semaphore(%arg12 : memref<!tpu.dma_semaphore, #tpu.memory_space<semaphore_mem>>)
    %add3A_25 = arith.constant 256 : i32
    %add3A_26 = arith.addi %mul3A_2, %add3A_25 : i32
    %dma_start3A_27 = arith.constant 0 : i32
    %dma_start3A_28 = tpu.memref_slice %arg9[%add3A_26, %dma_start3A_27] : memref<10240x128xf32, #tpu.memory_space<vmem_shared>> -> memref<128x128xf32, #tpu.memory_space<vmem_shared>>
    %dma_start3A_29 = arith.constant 0 : i32
    %dma_start3A_30 = tpu.memref_slice %arg9[%add3A_26, %dma_start3A_29] : memref<10240x128xf32, #tpu.memory_space<vmem_shared>> -> memref<128x128xf32, #tpu.memory_space<vmem_shared>>
    tpu.enqueue_dma source(%arg8 : memref<128x128xf32, #tpu.memory_space<vmem>>) target(%dma_start3A_30 : memref<128x128xf32, #tpu.memory_space<vmem_shared>>) target_semaphore(%arg12 : memref<!tpu.dma_semaphore, #tpu.memory_space<semaphore_mem>>)
    %add3A_31 = arith.constant 384 : i32
    %add3A_32 = arith.addi %mul3A_2, %add3A_31 : i32
    %dma_start3A_33 = arith.constant 0 : i32
    %dma_start3A_34 = tpu.memref_slice %arg9[%add3A_32, %dma_start3A_33] : memref<10240x128xf32, #tpu.memory_space<vmem_shared>> -> memref<128x128xf32, #tpu.memory_space<vmem_shared>>
    %dma_start3A_35 = arith.constant 0 : i32
    %dma_start3A_36 = tpu.memref_slice %arg9[%add3A_32, %dma_start3A_35] : memref<10240x128xf32, #tpu.memory_space<vmem_shared>> -> memref<128x128xf32, #tpu.memory_space<vmem_shared>>
    tpu.enqueue_dma source(%arg8 : memref<128x128xf32, #tpu.memory_space<vmem>>) target(%dma_start3A_36 : memref<128x128xf32, #tpu.memory_space<vmem_shared>>) target_semaphore(%arg12 : memref<!tpu.dma_semaphore, #tpu.memory_space<semaphore_mem>>)
    %add3A_37 = arith.constant 512 : i32
    %add3A_38 = arith.addi %mul3A_2, %add3A_37 : i32
    %dma_start3A_39 = arith.constant 0 : i32
    %dma_start3A_40 = tpu.memref_slice %arg9[%add3A_38, %dma_start3A_39] : memref<10240x128xf32, #tpu.memory_space<vmem_shared>> -> memref<128x128xf32, #tpu.memory_space<vmem_shared>>
    %dma_start3A_41 = arith.constant 0 : i32
    %dma_start3A_42 = tpu.memref_slice %arg9[%add3A_38, %dma_start3A_41] : memref<10240x128xf32, #tpu.memory_space<vmem_shared>> -> memref<128x128xf32, #tpu.memory_space<vmem_shared>>
    tpu.enqueue_dma source(%arg8 : memref<128x128xf32, #tpu.memory_space<vmem>>) target(%dma_start3A_42 : memref<128x128xf32, #tpu.memory_space<vmem_shared>>) target_semaphore(%arg12 : memref<!tpu.dma_semaphore, #tpu.memory_space<semaphore_mem>>)
    %add3A_43 = arith.constant 0 : i32
    %add3A_44 = arith.addi %mul3A_2, %add3A_43 : i32
    %dma_wait3A = arith.constant 0 : i32
    %dma_wait3A_45 = tpu.memref_slice %arg9[%add3A_44, %dma_wait3A] : memref<10240x128xf32, #tpu.memory_space<vmem_shared>> -> memref<128x128xf32, #tpu.memory_space<vmem_shared>>
    %dma_wait3A_46 = arith.constant 0 : i32
    %dma_wait3A_47 = tpu.memref_slice %arg9[%add3A_44, %dma_wait3A_46] : memref<10240x128xf32, #tpu.memory_space<vmem_shared>> -> memref<128x128xf32, #tpu.memory_space<vmem_shared>>
    tpu.wait_dma2 semaphore(%arg12 : memref<!tpu.dma_semaphore, #tpu.memory_space<semaphore_mem>>) src(%arg8 : memref<128x128xf32, #tpu.memory_space<vmem>>) dst(%dma_wait3A_47 : memref<128x128xf32, #tpu.memory_space<vmem_shared>>)
    %add3A_48 = arith.constant 128 : i32
    %add3A_49 = arith.addi %mul3A_2, %add3A_48 : i32
    %dma_wait3A_50 = arith.constant 0 : i32
    %dma_wait3A_51 = tpu.memref_slice %arg9[%add3A_49, %dma_wait3A_50] : memref<10240x128xf32, #tpu.memory_space<vmem_shared>> -> memref<128x128xf32, #tpu.memory_space<vmem_shared>>
    %dma_wait3A_52 = arith.constant 0 : i32
    %dma_wait3A_53 = tpu.memref_slice %arg9[%add3A_49, %dma_wait3A_52] : memref<10240x128xf32, #tpu.memory_space<vmem_shared>> -> memref<128x128xf32, #tpu.memory_space<vmem_shared>>
    tpu.wait_dma2 semaphore(%arg12 : memref<!tpu.dma_semaphore, #tpu.memory_space<semaphore_mem>>) src(%arg8 : memref<128x128xf32, #tpu.memory_space<vmem>>) dst(%dma_wait3A_53 : memref<128x128xf32, #tpu.memory_space<vmem_shared>>)
    %add3A_54 = arith.constant 256 : i32
    %add3A_55 = arith.addi %mul3A_2, %add3A_54 : i32
    %dma_wait3A_56 = arith.constant 0 : i32
    %dma_wait3A_57 = tpu.memref_slice %arg9[%add3A_55, %dma_wait3A_56] : memref<10240x128xf32, #tpu.memory_space<vmem_shared>> -> memref<128x128xf32, #tpu.memory_space<vmem_shared>>
    %dma_wait3A_58 = arith.constant 0 : i32
    %dma_wait3A_59 = tpu.memref_slice %arg9[%add3A_55, %dma_wait3A_58] : memref<10240x128xf32, #tpu.memory_space<vmem_shared>> -> memref<128x128xf32, #tpu.memory_space<vmem_shared>>
    tpu.wait_dma2 semaphore(%arg12 : memref<!tpu.dma_semaphore, #tpu.memory_space<semaphore_mem>>) src(%arg8 : memref<128x128xf32, #tpu.memory_space<vmem>>) dst(%dma_wait3A_59 : memref<128x128xf32, #tpu.memory_space<vmem_shared>>)
    %add3A_60 = arith.constant 384 : i32
    %add3A_61 = arith.addi %mul3A_2, %add3A_60 : i32
    %dma_wait3A_62 = arith.constant 0 : i32
    %dma_wait3A_63 = tpu.memref_slice %arg9[%add3A_61, %dma_wait3A_62] : memref<10240x128xf32, #tpu.memory_space<vmem_shared>> -> memref<128x128xf32, #tpu.memory_space<vmem_shared>>
    %dma_wait3A_64 = arith.constant 0 : i32
    %dma_wait3A_65 = tpu.memref_slice %arg9[%add3A_61, %dma_wait3A_64] : memref<10240x128xf32, #tpu.memory_space<vmem_shared>> -> memref<128x128xf32, #tpu.memory_space<vmem_shared>>
    tpu.wait_dma2 semaphore(%arg12 : memref<!tpu.dma_semaphore, #tpu.memory_space<semaphore_mem>>) src(%arg8 : memref<128x128xf32, #tpu.memory_space<vmem>>) dst(%dma_wait3A_65 : memref<128x128xf32, #tpu.memory_space<vmem_shared>>)
    %add3A_66 = arith.constant 512 : i32
    %add3A_67 = arith.addi %mul3A_2, %add3A_66 : i32
    %dma_wait3A_68 = arith.constant 0 : i32
    %dma_wait3A_69 = tpu.memref_slice %arg9[%add3A_67, %dma_wait3A_68] : memref<10240x128xf32, #tpu.memory_space<vmem_shared>> -> memref<128x128xf32, #tpu.memory_space<vmem_shared>>
    %dma_wait3A_70 = arith.constant 0 : i32
    %dma_wait3A_71 = tpu.memref_slice %arg9[%add3A_67, %dma_wait3A_70] : memref<10240x128xf32, #tpu.memory_space<vmem_shared>> -> memref<128x128xf32, #tpu.memory_space<vmem_shared>>
    tpu.wait_dma2 semaphore(%arg12 : memref<!tpu.dma_semaphore, #tpu.memory_space<semaphore_mem>>) src(%arg8 : memref<128x128xf32, #tpu.memory_space<vmem>>) dst(%dma_wait3A_71 : memref<128x128xf32, #tpu.memory_space<vmem_shared>>)
    %barrier3A = arith.constant 0 : index
    tpu.barrier barrier_id(%barrier3A)
    %scan3A = arith.constant 0 : i32
    %scan3A_72 = arith.constant 0 : i32
    %scan3A_73 = arith.constant 19 : i32
    %scan3A_74 = arith.addi %scan3A_72, %scan3A_73 : i32
    %scan3A_75 = arith.constant 1 : i32
    scf.for %scan3A_190 = %scan3A_72 to %scan3A_74 step %scan3A_75  : i32 {
      %mul3A_191 = arith.constant 2 : i32
      %mul3A_192 = arith.muli %mul3A_191, %scan3A_190 : i32
      %mul3A_193 = arith.constant 128 : i32
      %mul3A_194 = arith.muli %mul3A_192, %mul3A_193 : i32
      %dma_wait3A_195 = arith.constant 0 : i32
      %dma_wait3A_196 = tpu.memref_slice %arg6[%dma_wait3A_195, %mul3A_194] : memref<2x4992xi32, #tpu.memory_space<vmem>> -> memref<1x128xi32, #tpu.memory_space<vmem>>
      %dma_wait3A_197 = tpu.memref_squeeze %dma_wait3A_196 : memref<1x128xi32, #tpu.memory_space<vmem>> -> memref<128xi32, #tpu.memory_space<vmem>>
      %dma_wait3A_198 = arith.constant 0 : i32
      %dma_wait3A_199 = arith.constant 0 : i32
      %dma_wait3A_200 = tpu.memref_slice %arg2[%dma_wait3A_198, %dma_wait3A_199] : memref<10000x128xf32, #tpu.memory_space<hbm>> -> memref<10000x128xf32, #tpu.memory_space<hbm>>
      tpu.wait_indirect_dma semaphore(%arg10 : memref<!tpu.dma_semaphore, #tpu.memory_space<semaphore_mem>>) src(%dma_wait3A_200 : memref<10000x128xf32, #tpu.memory_space<hbm>>) dst(%arg7 : memref<128x128xf32, #tpu.memory_space<vmem>>)
      %add3A_201 = arith.constant 1 : i32
      %add3A_202 = arith.addi %mul3A_192, %add3A_201 : i32
      %mul3A_203 = arith.constant 128 : i32
      %mul3A_204 = arith.muli %add3A_202, %mul3A_203 : i32
      %dma_start3A_205 = arith.constant 0 : i32
      %dma_start3A_206 = tpu.memref_slice %arg6[%dma_start3A_205, %mul3A_204] : memref<2x4992xi32, #tpu.memory_space<vmem>> -> memref<1x128xi32, #tpu.memory_space<vmem>>
      %dma_start3A_207 = tpu.memref_squeeze %dma_start3A_206 : memref<1x128xi32, #tpu.memory_space<vmem>> -> memref<128xi32, #tpu.memory_space<vmem>>
      %dma_start3A_208 = arith.constant 0 : i32
      %dma_start3A_209 = arith.constant 0 : i32
      %dma_start3A_210 = tpu.memref_slice %arg2[%dma_start3A_208, %dma_start3A_209] : memref<10000x128xf32, #tpu.memory_space<hbm>> -> memref<10000x128xf32, #tpu.memory_space<hbm>>
      tpu.enqueue_indirect_dma source(%dma_start3A_210 : memref<10000x128xf32, #tpu.memory_space<hbm>>) target(%arg8 : memref<128x128xf32, #tpu.memory_space<vmem>>) offsets(%dma_start3A_207 : memref<128xi32, #tpu.memory_space<vmem>>) semaphore(%arg11 : memref<!tpu.dma_semaphore, #tpu.memory_space<semaphore_mem>>)
      %mul3A_211 = arith.constant 128 : i32
      %mul3A_212 = arith.muli %mul3A_192, %mul3A_211 : i32
      %run_scoped3A_213 = arith.constant 1 : i32
      "tpu.region"() ({
        %run_scoped3A_239 = tpu.sem_alloc : memref<!tpu.dma_semaphore, #tpu.memory_space<semaphore_mem>>
        %dma_start3A_240 = tpu.memref_slice %arg6[%run_scoped3A_213, %mul3A_212] : memref<2x4992xi32, #tpu.memory_space<vmem>> -> memref<1x128xi32, #tpu.memory_space<vmem>>
        %dma_start3A_241 = tpu.memref_squeeze %dma_start3A_240 : memref<1x128xi32, #tpu.memory_space<vmem>> -> memref<128xi32, #tpu.memory_space<vmem>>
        %dma_start3A_242 = arith.constant 0 : i32
        %dma_start3A_243 = arith.constant 0 : i32
        %dma_start3A_244 = tpu.memref_slice %arg9[%dma_start3A_242, %dma_start3A_243] : memref<10240x128xf32, #tpu.memory_space<vmem_shared>> -> memref<10240x128xf32, #tpu.memory_space<vmem_shared>>
        tpu.enqueue_indirect_dma source(%arg7 : memref<128x128xf32, #tpu.memory_space<vmem>>) target(%dma_start3A_244 : memref<10240x128xf32, #tpu.memory_space<vmem_shared>>) offsets(%dma_start3A_241 : memref<128xi32, #tpu.memory_space<vmem>>) semaphore(%run_scoped3A_239 : memref<!tpu.dma_semaphore, #tpu.memory_space<semaphore_mem>>) {add = true}
        %dma_wait3A_245 = tpu.memref_slice %arg6[%run_scoped3A_213, %mul3A_212] : memref<2x4992xi32, #tpu.memory_space<vmem>> -> memref<1x128xi32, #tpu.memory_space<vmem>>
        %dma_wait3A_246 = tpu.memref_squeeze %dma_wait3A_245 : memref<1x128xi32, #tpu.memory_space<vmem>> -> memref<128xi32, #tpu.memory_space<vmem>>
        %dma_wait3A_247 = arith.constant 0 : i32
        %dma_wait3A_248 = arith.constant 0 : i32
        %dma_wait3A_249 = tpu.memref_slice %arg9[%dma_wait3A_247, %dma_wait3A_248] : memref<10240x128xf32, #tpu.memory_space<vmem_shared>> -> memref<10240x128xf32, #tpu.memory_space<vmem_shared>>
        tpu.wait_indirect_dma semaphore(%run_scoped3A_239 : memref<!tpu.dma_semaphore, #tpu.memory_space<semaphore_mem>>) src(%arg7 : memref<128x128xf32, #tpu.memory_space<vmem>>) dst(%dma_wait3A_249 : memref<10240x128xf32, #tpu.memory_space<vmem_shared>>)
        tpu.yield
      }) : () -> ()
      %add3A_214 = arith.constant 1 : i32
      %add3A_215 = arith.addi %mul3A_192, %add3A_214 : i32
      %mul3A_216 = arith.constant 128 : i32
      %mul3A_217 = arith.muli %add3A_215, %mul3A_216 : i32
      %dma_wait3A_218 = arith.constant 0 : i32
      %dma_wait3A_219 = tpu.memref_slice %arg6[%dma_wait3A_218, %mul3A_217] : memref<2x4992xi32, #tpu.memory_space<vmem>> -> memref<1x128xi32, #tpu.memory_space<vmem>>
      %dma_wait3A_220 = tpu.memref_squeeze %dma_wait3A_219 : memref<1x128xi32, #tpu.memory_space<vmem>> -> memref<128xi32, #tpu.memory_space<vmem>>
      %dma_wait3A_221 = arith.constant 0 : i32
      %dma_wait3A_222 = arith.constant 0 : i32
      %dma_wait3A_223 = tpu.memref_slice %arg2[%dma_wait3A_221, %dma_wait3A_222] : memref<10000x128xf32, #tpu.memory_space<hbm>> -> memref<10000x128xf32, #tpu.memory_space<hbm>>
      tpu.wait_indirect_dma semaphore(%arg11 : memref<!tpu.dma_semaphore, #tpu.memory_space<semaphore_mem>>) src(%dma_wait3A_223 : memref<10000x128xf32, #tpu.memory_space<hbm>>) dst(%arg8 : memref<128x128xf32, #tpu.memory_space<vmem>>)
      %add3A_224 = arith.constant 2 : i32
      %add3A_225 = arith.addi %mul3A_192, %add3A_224 : i32
      %mul3A_226 = arith.constant 128 : i32
      %mul3A_227 = arith.muli %add3A_225, %mul3A_226 : i32
      %dma_start3A_228 = arith.constant 0 : i32
      %dma_start3A_229 = tpu.memref_slice %arg6[%dma_start3A_228, %mul3A_227] : memref<2x4992xi32, #tpu.memory_space<vmem>> -> memref<1x128xi32, #tpu.memory_space<vmem>>
      %dma_start3A_230 = tpu.memref_squeeze %dma_start3A_229 : memref<1x128xi32, #tpu.memory_space<vmem>> -> memref<128xi32, #tpu.memory_space<vmem>>
      %dma_start3A_231 = arith.constant 0 : i32
      %dma_start3A_232 = arith.constant 0 : i32
      %dma_start3A_233 = tpu.memref_slice %arg2[%dma_start3A_231, %dma_start3A_232] : memref<10000x128xf32, #tpu.memory_space<hbm>> -> memref<10000x128xf32, #tpu.memory_space<hbm>>
      tpu.enqueue_indirect_dma source(%dma_start3A_233 : memref<10000x128xf32, #tpu.memory_space<hbm>>) target(%arg7 : memref<128x128xf32, #tpu.memory_space<vmem>>) offsets(%dma_start3A_230 : memref<128xi32, #tpu.memory_space<vmem>>) semaphore(%arg10 : memref<!tpu.dma_semaphore, #tpu.memory_space<semaphore_mem>>)
      %add3A_234 = arith.constant 1 : i32
      %add3A_235 = arith.addi %mul3A_192, %add3A_234 : i32
      %mul3A_236 = arith.constant 128 : i32
      %mul3A_237 = arith.muli %add3A_235, %mul3A_236 : i32
      %run_scoped3A_238 = arith.constant 1 : i32
      "tpu.region"() ({
        %run_scoped3A_239 = tpu.sem_alloc : memref<!tpu.dma_semaphore, #tpu.memory_space<semaphore_mem>>
        %dma_start3A_240 = tpu.memref_slice %arg6[%run_scoped3A_238, %mul3A_237] : memref<2x4992xi32, #tpu.memory_space<vmem>> -> memref<1x128xi32, #tpu.memory_space<vmem>>
        %dma_start3A_241 = tpu.memref_squeeze %dma_start3A_240 : memref<1x128xi32, #tpu.memory_space<vmem>> -> memref<128xi32, #tpu.memory_space<vmem>>
        %dma_start3A_242 = arith.constant 0 : i32
        %dma_start3A_243 = arith.constant 0 : i32
        %dma_start3A_244 = tpu.memref_slice %arg9[%dma_start3A_242, %dma_start3A_243] : memref<10240x128xf32, #tpu.memory_space<vmem_shared>> -> memref<10240x128xf32, #tpu.memory_space<vmem_shared>>
        tpu.enqueue_indirect_dma source(%arg8 : memref<128x128xf32, #tpu.memory_space<vmem>>) target(%dma_start3A_244 : memref<10240x128xf32, #tpu.memory_space<vmem_shared>>) offsets(%dma_start3A_241 : memref<128xi32, #tpu.memory_space<vmem>>) semaphore(%run_scoped3A_239 : memref<!tpu.dma_semaphore, #tpu.memory_space<semaphore_mem>>) {add = true}
        %dma_wait3A_245 = tpu.memref_slice %arg6[%run_scoped3A_238, %mul3A_237] : memref<2x4992xi32, #tpu.memory_space<vmem>> -> memref<1x128xi32, #tpu.memory_space<vmem>>
        %dma_wait3A_246 = tpu.memref_squeeze %dma_wait3A_245 : memref<1x128xi32, #tpu.memory_space<vmem>> -> memref<128xi32, #tpu.memory_space<vmem>>
        %dma_wait3A_247 = arith.constant 0 : i32
        %dma_wait3A_248 = arith.constant 0 : i32
        %dma_wait3A_249 = tpu.memref_slice %arg9[%dma_wait3A_247, %dma_wait3A_248] : memref<10240x128xf32, #tpu.memory_space<vmem_shared>> -> memref<10240x128xf32, #tpu.memory_space<vmem_shared>>
        tpu.wait_indirect_dma semaphore(%run_scoped3A_239 : memref<!tpu.dma_semaphore, #tpu.memory_space<semaphore_mem>>) src(%arg8 : memref<128x128xf32, #tpu.memory_space<vmem>>) dst(%dma_wait3A_249 : memref<10240x128xf32, #tpu.memory_space<vmem_shared>>)
        tpu.yield
      }) : () -> ()
    }
    %scan3A_76 = arith.constant 19 : i32
    %dma_wait3A_77 = arith.constant 0 : i32
    %dma_wait3A_78 = arith.constant 4864 : i32
    %dma_wait3A_79 = tpu.memref_slice %arg6[%dma_wait3A_77, %dma_wait3A_78] : memref<2x4992xi32, #tpu.memory_space<vmem>> -> memref<1x128xi32, #tpu.memory_space<vmem>>
    %dma_wait3A_80 = tpu.memref_squeeze %dma_wait3A_79 : memref<1x128xi32, #tpu.memory_space<vmem>> -> memref<128xi32, #tpu.memory_space<vmem>>
    %dma_wait3A_81 = arith.constant 0 : i32
    %dma_wait3A_82 = arith.constant 0 : i32
    %dma_wait3A_83 = tpu.memref_slice %arg2[%dma_wait3A_81, %dma_wait3A_82] : memref<10000x128xf32, #tpu.memory_space<hbm>> -> memref<10000x128xf32, #tpu.memory_space<hbm>>
    tpu.wait_indirect_dma semaphore(%arg10 : memref<!tpu.dma_semaphore, #tpu.memory_space<semaphore_mem>>) src(%dma_wait3A_83 : memref<10000x128xf32, #tpu.memory_space<hbm>>) dst(%arg7 : memref<128x128xf32, #tpu.memory_space<vmem>>)
    %run_scoped3A = arith.constant 1 : i32
    "tpu.region"() ({
      %run_scoped3A_190 = tpu.sem_alloc : memref<!tpu.dma_semaphore, #tpu.memory_space<semaphore_mem>>
      %dma_start3A_191 = arith.constant 4864 : i32
      %dma_start3A_192 = tpu.memref_slice %arg6[%run_scoped3A, %dma_start3A_191] : memref<2x4992xi32, #tpu.memory_space<vmem>> -> memref<1x128xi32, #tpu.memory_space<vmem>>
      %dma_start3A_193 = tpu.memref_squeeze %dma_start3A_192 : memref<1x128xi32, #tpu.memory_space<vmem>> -> memref<128xi32, #tpu.memory_space<vmem>>
      %dma_start3A_194 = arith.constant 0 : i32
      %dma_start3A_195 = arith.constant 0 : i32
      %dma_start3A_196 = tpu.memref_slice %arg9[%dma_start3A_194, %dma_start3A_195] : memref<10240x128xf32, #tpu.memory_space<vmem_shared>> -> memref<10240x128xf32, #tpu.memory_space<vmem_shared>>
      tpu.enqueue_indirect_dma source(%arg7 : memref<128x128xf32, #tpu.memory_space<vmem>>) target(%dma_start3A_196 : memref<10240x128xf32, #tpu.memory_space<vmem_shared>>) offsets(%dma_start3A_193 : memref<128xi32, #tpu.memory_space<vmem>>) semaphore(%run_scoped3A_190 : memref<!tpu.dma_semaphore, #tpu.memory_space<semaphore_mem>>) {add = true}
      %dma_wait3A_197 = arith.constant 4864 : i32
      %dma_wait3A_198 = tpu.memref_slice %arg6[%run_scoped3A, %dma_wait3A_197] : memref<2x4992xi32, #tpu.memory_space<vmem>> -> memref<1x128xi32, #tpu.memory_space<vmem>>
      %dma_wait3A_199 = tpu.memref_squeeze %dma_wait3A_198 : memref<1x128xi32, #tpu.memory_space<vmem>> -> memref<128xi32, #tpu.memory_space<vmem>>
      %dma_wait3A_200 = arith.constant 0 : i32
      %dma_wait3A_201 = arith.constant 0 : i32
      %dma_wait3A_202 = tpu.memref_slice %arg9[%dma_wait3A_200, %dma_wait3A_201] : memref<10240x128xf32, #tpu.memory_space<vmem_shared>> -> memref<10240x128xf32, #tpu.memory_space<vmem_shared>>
      tpu.wait_indirect_dma semaphore(%run_scoped3A_190 : memref<!tpu.dma_semaphore, #tpu.memory_space<semaphore_mem>>) src(%arg7 : memref<128x128xf32, #tpu.memory_space<vmem>>) dst(%dma_wait3A_202 : memref<10240x128xf32, #tpu.memory_space<vmem_shared>>)
      tpu.yield
    }) : () -> ()
    %add3A_84 = arith.constant 4992 : i32
    %add3A_85 = arith.addi %mul3A_6, %add3A_84 : i32
    "tpu.region"() ({
      %run_scoped3A_190 = tpu.sem_alloc : memref<!tpu.dma_semaphore, #tpu.memory_space<semaphore_mem>>
      %dma_start3A_191 = arith.constant 0 : i32
      %dma_start3A_192 = arith.constant 0 : i32
      %dma_start3A_193 = tpu.memref_slice %arg6[%dma_start3A_191, %dma_start3A_192] : memref<2x4992xi32, #tpu.memory_space<vmem>> -> memref<2x4992xi32, #tpu.memory_space<vmem>>
      %dma_start3A_194 = arith.constant 0 : i32
      %dma_start3A_195 = tpu.memref_slice %arg3[%dma_start3A_194, %add3A_85] : memref<2x320000xi32, #tpu.memory_space<hbm>> -> memref<2x4992xi32, #tpu.memory_space<hbm>>
      %dma_start3A_196 = arith.constant 0 : i32
      %dma_start3A_197 = arith.constant 0 : i32
      %dma_start3A_198 = tpu.memref_slice %arg6[%dma_start3A_196, %dma_start3A_197] : memref<2x4992xi32, #tpu.memory_space<vmem>> -> memref<2x4992xi32, #tpu.memory_space<vmem>>
      %dma_start3A_199 = arith.constant 0 : i32
      %dma_start3A_200 = tpu.memref_slice %arg3[%dma_start3A_199, %add3A_85] : memref<2x320000xi32, #tpu.memory_space<hbm>> -> memref<2x4992xi32, #tpu.memory_space<hbm>>
      tpu.enqueue_dma source(%dma_start3A_200 : memref<2x4992xi32, #tpu.memory_space<hbm>>) target(%dma_start3A_198 : memref<2x4992xi32, #tpu.memory_space<vmem>>) target_semaphore(%run_scoped3A_190 : memref<!tpu.dma_semaphore, #tpu.memory_space<semaphore_mem>>)
      %dma_wait3A_201 = arith.constant 0 : i32
      %dma_wait3A_202 = arith.constant 0 : i32
      %dma_wait3A_203 = tpu.memref_slice %arg6[%dma_wait3A_201, %dma_wait3A_202] : memref<2x4992xi32, #tpu.memory_space<vmem>> -> memref<2x4992xi32, #tpu.memory_space<vmem>>
      %dma_wait3A_204 = arith.constant 0 : i32
      %dma_wait3A_205 = tpu.memref_slice %arg3[%dma_wait3A_204, %add3A_85] : memref<2x320000xi32, #tpu.memory_space<hbm>> -> memref<2x4992xi32, #tpu.memory_space<hbm>>
      %dma_wait3A_206 = arith.constant 0 : i32
      %dma_wait3A_207 = arith.constant 0 : i32
      %dma_wait3A_208 = tpu.memref_slice %arg6[%dma_wait3A_206, %dma_wait3A_207] : memref<2x4992xi32, #tpu.memory_space<vmem>> -> memref<2x4992xi32, #tpu.memory_space<vmem>>
      %dma_wait3A_209 = arith.constant 0 : i32
      %dma_wait3A_210 = tpu.memref_slice %arg3[%dma_wait3A_209, %add3A_85] : memref<2x320000xi32, #tpu.memory_space<hbm>> -> memref<2x4992xi32, #tpu.memory_space<hbm>>
      tpu.wait_dma2 semaphore(%run_scoped3A_190 : memref<!tpu.dma_semaphore, #tpu.memory_space<semaphore_mem>>) src(%dma_wait3A_210 : memref<2x4992xi32, #tpu.memory_space<hbm>>) dst(%dma_wait3A_208 : memref<2x4992xi32, #tpu.memory_space<vmem>>)
      tpu.yield
    }) : () -> ()
    %dma_start3A_86 = arith.constant 0 : i32
    %dma_start3A_87 = arith.constant 0 : i32
    %dma_start3A_88 = tpu.memref_slice %arg6[%dma_start3A_86, %dma_start3A_87] : memref<2x4992xi32, #tpu.memory_space<vmem>> -> memref<1x128xi32, #tpu.memory_space<vmem>>
    %dma_start3A_89 = tpu.memref_squeeze %dma_start3A_88 : memref<1x128xi32, #tpu.memory_space<vmem>> -> memref<128xi32, #tpu.memory_space<vmem>>
    %dma_start3A_90 = arith.constant 0 : i32
    %dma_start3A_91 = arith.constant 0 : i32
    %dma_start3A_92 = tpu.memref_slice %arg2[%dma_start3A_90, %dma_start3A_91] : memref<10000x128xf32, #tpu.memory_space<hbm>> -> memref<10000x128xf32, #tpu.memory_space<hbm>>
    tpu.enqueue_indirect_dma source(%dma_start3A_92 : memref<10000x128xf32, #tpu.memory_space<hbm>>) target(%arg7 : memref<128x128xf32, #tpu.memory_space<vmem>>) offsets(%dma_start3A_89 : memref<128xi32, #tpu.memory_space<vmem>>) semaphore(%arg10 : memref<!tpu.dma_semaphore, #tpu.memory_space<semaphore_mem>>)
    %scan3A_93 = arith.constant 0 : i32
    %scan3A_94 = arith.constant 0 : i32
    %scan3A_95 = arith.constant 19 : i32
    %scan3A_96 = arith.addi %scan3A_94, %scan3A_95 : i32
    %scan3A_97 = arith.constant 1 : i32
    scf.for %scan3A_190 = %scan3A_94 to %scan3A_96 step %scan3A_97  : i32 {
      %mul3A_191 = arith.constant 2 : i32
      %mul3A_192 = arith.muli %mul3A_191, %scan3A_190 : i32
      %mul3A_193 = arith.constant 128 : i32
      %mul3A_194 = arith.muli %mul3A_192, %mul3A_193 : i32
      %dma_wait3A_195 = arith.constant 0 : i32
      %dma_wait3A_196 = tpu.memref_slice %arg6[%dma_wait3A_195, %mul3A_194] : memref<2x4992xi32, #tpu.memory_space<vmem>> -> memref<1x128xi32, #tpu.memory_space<vmem>>
      %dma_wait3A_197 = tpu.memref_squeeze %dma_wait3A_196 : memref<1x128xi32, #tpu.memory_space<vmem>> -> memref<128xi32, #tpu.memory_space<vmem>>
      %dma_wait3A_198 = arith.constant 0 : i32
      %dma_wait3A_199 = arith.constant 0 : i32
      %dma_wait3A_200 = tpu.memref_slice %arg2[%dma_wait3A_198, %dma_wait3A_199] : memref<10000x128xf32, #tpu.memory_space<hbm>> -> memref<10000x128xf32, #tpu.memory_space<hbm>>
      tpu.wait_indirect_dma semaphore(%arg10 : memref<!tpu.dma_semaphore, #tpu.memory_space<semaphore_mem>>) src(%dma_wait3A_200 : memref<10000x128xf32, #tpu.memory_space<hbm>>) dst(%arg7 : memref<128x128xf32, #tpu.memory_space<vmem>>)
      %add3A_201 = arith.constant 1 : i32
      %add3A_202 = arith.addi %mul3A_192, %add3A_201 : i32
      %mul3A_203 = arith.constant 128 : i32
      %mul3A_204 = arith.muli %add3A_202, %mul3A_203 : i32
      %dma_start3A_205 = arith.constant 0 : i32
      %dma_start3A_206 = tpu.memref_slice %arg6[%dma_start3A_205, %mul3A_204] : memref<2x4992xi32, #tpu.memory_space<vmem>> -> memref<1x128xi32, #tpu.memory_space<vmem>>
      %dma_start3A_207 = tpu.memref_squeeze %dma_start3A_206 : memref<1x128xi32, #tpu.memory_space<vmem>> -> memref<128xi32, #tpu.memory_space<vmem>>
      %dma_start3A_208 = arith.constant 0 : i32
      %dma_start3A_209 = arith.constant 0 : i32
      %dma_start3A_210 = tpu.memref_slice %arg2[%dma_start3A_208, %dma_start3A_209] : memref<10000x128xf32, #tpu.memory_space<hbm>> -> memref<10000x128xf32, #tpu.memory_space<hbm>>
      tpu.enqueue_indirect_dma source(%dma_start3A_210 : memref<10000x128xf32, #tpu.memory_space<hbm>>) target(%arg8 : memref<128x128xf32, #tpu.memory_space<vmem>>) offsets(%dma_start3A_207 : memref<128xi32, #tpu.memory_space<vmem>>) semaphore(%arg11 : memref<!tpu.dma_semaphore, #tpu.memory_space<semaphore_mem>>)
      %mul3A_211 = arith.constant 128 : i32
      %mul3A_212 = arith.muli %mul3A_192, %mul3A_211 : i32
      %run_scoped3A_213 = arith.constant 1 : i32
      "tpu.region"() ({
        %run_scoped3A_239 = tpu.sem_alloc : memref<!tpu.dma_semaphore, #tpu.memory_space<semaphore_mem>>
        %dma_start3A_240 = tpu.memref_slice %arg6[%run_scoped3A_213, %mul3A_212] : memref<2x4992xi32, #tpu.memory_space<vmem>> -> memref<1x128xi32, #tpu.memory_space<vmem>>
        %dma_start3A_241 = tpu.memref_squeeze %dma_start3A_240 : memref<1x128xi32, #tpu.memory_space<vmem>> -> memref<128xi32, #tpu.memory_space<vmem>>
        %dma_start3A_242 = arith.constant 0 : i32
        %dma_start3A_243 = arith.constant 0 : i32
        %dma_start3A_244 = tpu.memref_slice %arg9[%dma_start3A_242, %dma_start3A_243] : memref<10240x128xf32, #tpu.memory_space<vmem_shared>> -> memref<10240x128xf32, #tpu.memory_space<vmem_shared>>
        tpu.enqueue_indirect_dma source(%arg7 : memref<128x128xf32, #tpu.memory_space<vmem>>) target(%dma_start3A_244 : memref<10240x128xf32, #tpu.memory_space<vmem_shared>>) offsets(%dma_start3A_241 : memref<128xi32, #tpu.memory_space<vmem>>) semaphore(%run_scoped3A_239 : memref<!tpu.dma_semaphore, #tpu.memory_space<semaphore_mem>>) {add = true}
        %dma_wait3A_245 = tpu.memref_slice %arg6[%run_scoped3A_213, %mul3A_212] : memref<2x4992xi32, #tpu.memory_space<vmem>> -> memref<1x128xi32, #tpu.memory_space<vmem>>
        %dma_wait3A_246 = tpu.memref_squeeze %dma_wait3A_245 : memref<1x128xi32, #tpu.memory_space<vmem>> -> memref<128xi32, #tpu.memory_space<vmem>>
        %dma_wait3A_247 = arith.constant 0 : i32
        %dma_wait3A_248 = arith.constant 0 : i32
        %dma_wait3A_249 = tpu.memref_slice %arg9[%dma_wait3A_247, %dma_wait3A_248] : memref<10240x128xf32, #tpu.memory_space<vmem_shared>> -> memref<10240x128xf32, #tpu.memory_space<vmem_shared>>
        tpu.wait_indirect_dma semaphore(%run_scoped3A_239 : memref<!tpu.dma_semaphore, #tpu.memory_space<semaphore_mem>>) src(%arg7 : memref<128x128xf32, #tpu.memory_space<vmem>>) dst(%dma_wait3A_249 : memref<10240x128xf32, #tpu.memory_space<vmem_shared>>)
        tpu.yield
      }) : () -> ()
      %add3A_214 = arith.constant 1 : i32
      %add3A_215 = arith.addi %mul3A_192, %add3A_214 : i32
      %mul3A_216 = arith.constant 128 : i32
      %mul3A_217 = arith.muli %add3A_215, %mul3A_216 : i32
      %dma_wait3A_218 = arith.constant 0 : i32
      %dma_wait3A_219 = tpu.memref_slice %arg6[%dma_wait3A_218, %mul3A_217] : memref<2x4992xi32, #tpu.memory_space<vmem>> -> memref<1x128xi32, #tpu.memory_space<vmem>>
      %dma_wait3A_220 = tpu.memref_squeeze %dma_wait3A_219 : memref<1x128xi32, #tpu.memory_space<vmem>> -> memref<128xi32, #tpu.memory_space<vmem>>
      %dma_wait3A_221 = arith.constant 0 : i32
      %dma_wait3A_222 = arith.constant 0 : i32
      %dma_wait3A_223 = tpu.memref_slice %arg2[%dma_wait3A_221, %dma_wait3A_222] : memref<10000x128xf32, #tpu.memory_space<hbm>> -> memref<10000x128xf32, #tpu.memory_space<hbm>>
      tpu.wait_indirect_dma semaphore(%arg11 : memref<!tpu.dma_semaphore, #tpu.memory_space<semaphore_mem>>) src(%dma_wait3A_223 : memref<10000x128xf32, #tpu.memory_space<hbm>>) dst(%arg8 : memref<128x128xf32, #tpu.memory_space<vmem>>)
      %add3A_224 = arith.constant 2 : i32
      %add3A_225 = arith.addi %mul3A_192, %add3A_224 : i32
      %mul3A_226 = arith.constant 128 : i32
      %mul3A_227 = arith.muli %add3A_225, %mul3A_226 : i32
      %dma_start3A_228 = arith.constant 0 : i32
      %dma_start3A_229 = tpu.memref_slice %arg6[%dma_start3A_228, %mul3A_227] : memref<2x4992xi32, #tpu.memory_space<vmem>> -> memref<1x128xi32, #tpu.memory_space<vmem>>
      %dma_start3A_230 = tpu.memref_squeeze %dma_start3A_229 : memref<1x128xi32, #tpu.memory_space<vmem>> -> memref<128xi32, #tpu.memory_space<vmem>>
      %dma_start3A_231 = arith.constant 0 : i32
      %dma_start3A_232 = arith.constant 0 : i32
      %dma_start3A_233 = tpu.memref_slice %arg2[%dma_start3A_231, %dma_start3A_232] : memref<10000x128xf32, #tpu.memory_space<hbm>> -> memref<10000x128xf32, #tpu.memory_space<hbm>>
      tpu.enqueue_indirect_dma source(%dma_start3A_233 : memref<10000x128xf32, #tpu.memory_space<hbm>>) target(%arg7 : memref<128x128xf32, #tpu.memory_space<vmem>>) offsets(%dma_start3A_230 : memref<128xi32, #tpu.memory_space<vmem>>) semaphore(%arg10 : memref<!tpu.dma_semaphore, #tpu.memory_space<semaphore_mem>>)
      %add3A_234 = arith.constant 1 : i32
      %add3A_235 = arith.addi %mul3A_192, %add3A_234 : i32
      %mul3A_236 = arith.constant 128 : i32
      %mul3A_237 = arith.muli %add3A_235, %mul3A_236 : i32
      %run_scoped3A_238 = arith.constant 1 : i32
      "tpu.region"() ({
        %run_scoped3A_239 = tpu.sem_alloc : memref<!tpu.dma_semaphore, #tpu.memory_space<semaphore_mem>>
        %dma_start3A_240 = tpu.memref_slice %arg6[%run_scoped3A_238, %mul3A_237] : memref<2x4992xi32, #tpu.memory_space<vmem>> -> memref<1x128xi32, #tpu.memory_space<vmem>>
        %dma_start3A_241 = tpu.memref_squeeze %dma_start3A_240 : memref<1x128xi32, #tpu.memory_space<vmem>> -> memref<128xi32, #tpu.memory_space<vmem>>
        %dma_start3A_242 = arith.constant 0 : i32
        %dma_start3A_243 = arith.constant 0 : i32
        %dma_start3A_244 = tpu.memref_slice %arg9[%dma_start3A_242, %dma_start3A_243] : memref<10240x128xf32, #tpu.memory_space<vmem_shared>> -> memref<10240x128xf32, #tpu.memory_space<vmem_shared>>
        tpu.enqueue_indirect_dma source(%arg8 : memref<128x128xf32, #tpu.memory_space<vmem>>) target(%dma_start3A_244 : memref<10240x128xf32, #tpu.memory_space<vmem_shared>>) offsets(%dma_start3A_241 : memref<128xi32, #tpu.memory_space<vmem>>) semaphore(%run_scoped3A_239 : memref<!tpu.dma_semaphore, #tpu.memory_space<semaphore_mem>>) {add = true}
        %dma_wait3A_245 = tpu.memref_slice %arg6[%run_scoped3A_238, %mul3A_237] : memref<2x4992xi32, #tpu.memory_space<vmem>> -> memref<1x128xi32, #tpu.memory_space<vmem>>
        %dma_wait3A_246 = tpu.memref_squeeze %dma_wait3A_245 : memref<1x128xi32, #tpu.memory_space<vmem>> -> memref<128xi32, #tpu.memory_space<vmem>>
        %dma_wait3A_247 = arith.constant 0 : i32
        %dma_wait3A_248 = arith.constant 0 : i32
        %dma_wait3A_249 = tpu.memref_slice %arg9[%dma_wait3A_247, %dma_wait3A_248] : memref<10240x128xf32, #tpu.memory_space<vmem_shared>> -> memref<10240x128xf32, #tpu.memory_space<vmem_shared>>
        tpu.wait_indirect_dma semaphore(%run_scoped3A_239 : memref<!tpu.dma_semaphore, #tpu.memory_space<semaphore_mem>>) src(%arg8 : memref<128x128xf32, #tpu.memory_space<vmem>>) dst(%dma_wait3A_249 : memref<10240x128xf32, #tpu.memory_space<vmem_shared>>)
        tpu.yield
      }) : () -> ()
    }
    %scan3A_98 = arith.constant 19 : i32
    %dma_wait3A_99 = arith.constant 0 : i32
    %dma_wait3A_100 = arith.constant 4864 : i32
    %dma_wait3A_101 = tpu.memref_slice %arg6[%dma_wait3A_99, %dma_wait3A_100] : memref<2x4992xi32, #tpu.memory_space<vmem>> -> memref<1x128xi32, #tpu.memory_space<vmem>>
    %dma_wait3A_102 = tpu.memref_squeeze %dma_wait3A_101 : memref<1x128xi32, #tpu.memory_space<vmem>> -> memref<128xi32, #tpu.memory_space<vmem>>
    %dma_wait3A_103 = arith.constant 0 : i32
    %dma_wait3A_104 = arith.constant 0 : i32
    %dma_wait3A_105 = tpu.memref_slice %arg2[%dma_wait3A_103, %dma_wait3A_104] : memref<10000x128xf32, #tpu.memory_space<hbm>> -> memref<10000x128xf32, #tpu.memory_space<hbm>>
    tpu.wait_indirect_dma semaphore(%arg10 : memref<!tpu.dma_semaphore, #tpu.memory_space<semaphore_mem>>) src(%dma_wait3A_105 : memref<10000x128xf32, #tpu.memory_space<hbm>>) dst(%arg7 : memref<128x128xf32, #tpu.memory_space<vmem>>)
    %run_scoped3A_106 = arith.constant 1 : i32
    "tpu.region"() ({
      %run_scoped3A_190 = tpu.sem_alloc : memref<!tpu.dma_semaphore, #tpu.memory_space<semaphore_mem>>
      %dma_start3A_191 = arith.constant 4864 : i32
      %dma_start3A_192 = tpu.memref_slice %arg6[%run_scoped3A_106, %dma_start3A_191] : memref<2x4992xi32, #tpu.memory_space<vmem>> -> memref<1x128xi32, #tpu.memory_space<vmem>>
      %dma_start3A_193 = tpu.memref_squeeze %dma_start3A_192 : memref<1x128xi32, #tpu.memory_space<vmem>> -> memref<128xi32, #tpu.memory_space<vmem>>
      %dma_start3A_194 = arith.constant 0 : i32
      %dma_start3A_195 = arith.constant 0 : i32
      %dma_start3A_196 = tpu.memref_slice %arg9[%dma_start3A_194, %dma_start3A_195] : memref<10240x128xf32, #tpu.memory_space<vmem_shared>> -> memref<10240x128xf32, #tpu.memory_space<vmem_shared>>
      tpu.enqueue_indirect_dma source(%arg7 : memref<128x128xf32, #tpu.memory_space<vmem>>) target(%dma_start3A_196 : memref<10240x128xf32, #tpu.memory_space<vmem_shared>>) offsets(%dma_start3A_193 : memref<128xi32, #tpu.memory_space<vmem>>) semaphore(%run_scoped3A_190 : memref<!tpu.dma_semaphore, #tpu.memory_space<semaphore_mem>>) {add = true}
      %dma_wait3A_197 = arith.constant 4864 : i32
      %dma_wait3A_198 = tpu.memref_slice %arg6[%run_scoped3A_106, %dma_wait3A_197] : memref<2x4992xi32, #tpu.memory_space<vmem>> -> memref<1x128xi32, #tpu.memory_space<vmem>>
      %dma_wait3A_199 = tpu.memref_squeeze %dma_wait3A_198 : memref<1x128xi32, #tpu.memory_space<vmem>> -> memref<128xi32, #tpu.memory_space<vmem>>
      %dma_wait3A_200 = arith.constant 0 : i32
      %dma_wait3A_201 = arith.constant 0 : i32
      %dma_wait3A_202 = tpu.memref_slice %arg9[%dma_wait3A_200, %dma_wait3A_201] : memref<10240x128xf32, #tpu.memory_space<vmem_shared>> -> memref<10240x128xf32, #tpu.memory_space<vmem_shared>>
      tpu.wait_indirect_dma semaphore(%run_scoped3A_190 : memref<!tpu.dma_semaphore, #tpu.memory_space<semaphore_mem>>) src(%arg7 : memref<128x128xf32, #tpu.memory_space<vmem>>) dst(%dma_wait3A_202 : memref<10240x128xf32, #tpu.memory_space<vmem_shared>>)
      tpu.yield
    }) : () -> ()
    %lt3A = arith.constant 4 : i32
    %lt3A_107 = arith.cmpi slt, %add3A, %lt3A : i32
    %convert_element_type3A = arith.extui %lt3A_107 : i1 to i32
    %cond3A = arith.constant 0 : i32
    %cond3A_108 = arith.cmpi ne, %convert_element_type3A, %cond3A : i32
    scf.if %cond3A_108 {
      %mul3A_190 = arith.constant 128 : i32
      %mul3A_191 = arith.muli %add3A, %mul3A_190 : i32
      %add3A_192 = arith.constant 319488 : i32
      %add3A_193 = arith.addi %add3A_192, %mul3A_191 : i32
      "tpu.region"() ({
        %run_scoped3A_209 = tpu.sem_alloc : memref<!tpu.dma_semaphore, #tpu.memory_space<semaphore_mem>>
        %dma_start3A_210 = arith.constant 0 : i32
        %dma_start3A_211 = arith.constant 0 : i32
        %dma_start3A_212 = tpu.memref_slice %arg6[%dma_start3A_210, %dma_start3A_211] : memref<2x4992xi32, #tpu.memory_space<vmem>> -> memref<2x128xi32, #tpu.memory_space<vmem>>
        %dma_start3A_213 = arith.constant 0 : i32
        %dma_start3A_214 = tpu.memref_slice %arg3[%dma_start3A_213, %add3A_193] : memref<2x320000xi32, #tpu.memory_space<hbm>> -> memref<2x128xi32, #tpu.memory_space<hbm>>
        %dma_start3A_215 = arith.constant 0 : i32
        %dma_start3A_216 = arith.constant 0 : i32
        %dma_start3A_217 = tpu.memref_slice %arg6[%dma_start3A_215, %dma_start3A_216] : memref<2x4992xi32, #tpu.memory_space<vmem>> -> memref<2x128xi32, #tpu.memory_space<vmem>>
        %dma_start3A_218 = arith.constant 0 : i32
        %dma_start3A_219 = tpu.memref_slice %arg3[%dma_start3A_218, %add3A_193] : memref<2x320000xi32, #tpu.memory_space<hbm>> -> memref<2x128xi32, #tpu.memory_space<hbm>>
        tpu.enqueue_dma source(%dma_start3A_219 : memref<2x128xi32, #tpu.memory_space<hbm>>) target(%dma_start3A_217 : memref<2x128xi32, #tpu.memory_space<vmem>>) target_semaphore(%run_scoped3A_209 : memref<!tpu.dma_semaphore, #tpu.memory_space<semaphore_mem>>)
        %dma_wait3A_220 = arith.constant 0 : i32
        %dma_wait3A_221 = arith.constant 0 : i32
        %dma_wait3A_222 = tpu.memref_slice %arg6[%dma_wait3A_220, %dma_wait3A_221] : memref<2x4992xi32, #tpu.memory_space<vmem>> -> memref<2x128xi32, #tpu.memory_space<vmem>>
        %dma_wait3A_223 = arith.constant 0 : i32
        %dma_wait3A_224 = tpu.memref_slice %arg3[%dma_wait3A_223, %add3A_193] : memref<2x320000xi32, #tpu.memory_space<hbm>> -> memref<2x128xi32, #tpu.memory_space<hbm>>
        %dma_wait3A_225 = arith.constant 0 : i32
        %dma_wait3A_226 = arith.constant 0 : i32
        %dma_wait3A_227 = tpu.memref_slice %arg6[%dma_wait3A_225, %dma_wait3A_226] : memref<2x4992xi32, #tpu.memory_space<vmem>> -> memref<2x128xi32, #tpu.memory_space<vmem>>
        %dma_wait3A_228 = arith.constant 0 : i32
        %dma_wait3A_229 = tpu.memref_slice %arg3[%dma_wait3A_228, %add3A_193] : memref<2x320000xi32, #tpu.memory_space<hbm>> -> memref<2x128xi32, #tpu.memory_space<hbm>>
        tpu.wait_dma2 semaphore(%run_scoped3A_209 : memref<!tpu.dma_semaphore, #tpu.memory_space<semaphore_mem>>) src(%dma_wait3A_229 : memref<2x128xi32, #tpu.memory_space<hbm>>) dst(%dma_wait3A_227 : memref<2x128xi32, #tpu.memory_space<vmem>>)
        tpu.yield
      }) : () -> ()
      %dma_start3A_194 = arith.constant 0 : i32
      %dma_start3A_195 = arith.constant 0 : i32
      %dma_start3A_196 = tpu.memref_slice %arg6[%dma_start3A_194, %dma_start3A_195] : memref<2x4992xi32, #tpu.memory_space<vmem>> -> memref<1x128xi32, #tpu.memory_space<vmem>>
      %dma_start3A_197 = tpu.memref_squeeze %dma_start3A_196 : memref<1x128xi32, #tpu.memory_space<vmem>> -> memref<128xi32, #tpu.memory_space<vmem>>
      %dma_start3A_198 = arith.constant 0 : i32
      %dma_start3A_199 = arith.constant 0 : i32
      %dma_start3A_200 = tpu.memref_slice %arg2[%dma_start3A_198, %dma_start3A_199] : memref<10000x128xf32, #tpu.memory_space<hbm>> -> memref<10000x128xf32, #tpu.memory_space<hbm>>
      tpu.enqueue_indirect_dma source(%dma_start3A_200 : memref<10000x128xf32, #tpu.memory_space<hbm>>) target(%arg7 : memref<128x128xf32, #tpu.memory_space<vmem>>) offsets(%dma_start3A_197 : memref<128xi32, #tpu.memory_space<vmem>>) semaphore(%arg10 : memref<!tpu.dma_semaphore, #tpu.memory_space<semaphore_mem>>)
      %dma_wait3A_201 = arith.constant 0 : i32
      %dma_wait3A_202 = arith.constant 0 : i32
      %dma_wait3A_203 = tpu.memref_slice %arg6[%dma_wait3A_201, %dma_wait3A_202] : memref<2x4992xi32, #tpu.memory_space<vmem>> -> memref<1x128xi32, #tpu.memory_space<vmem>>
      %dma_wait3A_204 = tpu.memref_squeeze %dma_wait3A_203 : memref<1x128xi32, #tpu.memory_space<vmem>> -> memref<128xi32, #tpu.memory_space<vmem>>
      %dma_wait3A_205 = arith.constant 0 : i32
      %dma_wait3A_206 = arith.constant 0 : i32
      %dma_wait3A_207 = tpu.memref_slice %arg2[%dma_wait3A_205, %dma_wait3A_206] : memref<10000x128xf32, #tpu.memory_space<hbm>> -> memref<10000x128xf32, #tpu.memory_space<hbm>>
      tpu.wait_indirect_dma semaphore(%arg10 : memref<!tpu.dma_semaphore, #tpu.memory_space<semaphore_mem>>) src(%dma_wait3A_207 : memref<10000x128xf32, #tpu.memory_space<hbm>>) dst(%arg7 : memref<128x128xf32, #tpu.memory_space<vmem>>)
      %run_scoped3A_208 = arith.constant 1 : i32
      "tpu.region"() ({
        %run_scoped3A_209 = tpu.sem_alloc : memref<!tpu.dma_semaphore, #tpu.memory_space<semaphore_mem>>
        %dma_start3A_210 = arith.constant 0 : i32
        %dma_start3A_211 = tpu.memref_slice %arg6[%run_scoped3A_208, %dma_start3A_210] : memref<2x4992xi32, #tpu.memory_space<vmem>> -> memref<1x128xi32, #tpu.memory_space<vmem>>
        %dma_start3A_212 = tpu.memref_squeeze %dma_start3A_211 : memref<1x128xi32, #tpu.memory_space<vmem>> -> memref<128xi32, #tpu.memory_space<vmem>>
        %dma_start3A_213 = arith.constant 0 : i32
        %dma_start3A_214 = arith.constant 0 : i32
        %dma_start3A_215 = tpu.memref_slice %arg9[%dma_start3A_213, %dma_start3A_214] : memref<10240x128xf32, #tpu.memory_space<vmem_shared>> -> memref<10240x128xf32, #tpu.memory_space<vmem_shared>>
        tpu.enqueue_indirect_dma source(%arg7 : memref<128x128xf32, #tpu.memory_space<vmem>>) target(%dma_start3A_215 : memref<10240x128xf32, #tpu.memory_space<vmem_shared>>) offsets(%dma_start3A_212 : memref<128xi32, #tpu.memory_space<vmem>>) semaphore(%run_scoped3A_209 : memref<!tpu.dma_semaphore, #tpu.memory_space<semaphore_mem>>) {add = true}
        %dma_wait3A_216 = arith.constant 0 : i32
        %dma_wait3A_217 = tpu.memref_slice %arg6[%run_scoped3A_208, %dma_wait3A_216] : memref<2x4992xi32, #tpu.memory_space<vmem>> -> memref<1x128xi32, #tpu.memory_space<vmem>>
        %dma_wait3A_218 = tpu.memref_squeeze %dma_wait3A_217 : memref<1x128xi32, #tpu.memory_space<vmem>> -> memref<128xi32, #tpu.memory_space<vmem>>
        %dma_wait3A_219 = arith.constant 0 : i32
        %dma_wait3A_220 = arith.constant 0 : i32
        %dma_wait3A_221 = tpu.memref_slice %arg9[%dma_wait3A_219, %dma_wait3A_220] : memref<10240x128xf32, #tpu.memory_space<vmem_shared>> -> memref<10240x128xf32, #tpu.memory_space<vmem_shared>>
        tpu.wait_indirect_dma semaphore(%run_scoped3A_209 : memref<!tpu.dma_semaphore, #tpu.memory_space<semaphore_mem>>) src(%arg7 : memref<128x128xf32, #tpu.memory_space<vmem>>) dst(%dma_wait3A_221 : memref<10240x128xf32, #tpu.memory_space<vmem_shared>>)
        tpu.yield
      }) : () -> ()
    } else {
    }
    %barrier3A_109 = arith.constant 0 : index
    tpu.barrier barrier_id(%barrier3A_109)
    %add3A_110 = arith.constant 0 : i32
    %add3A_111 = arith.addi %mul3A_2, %add3A_110 : i32
    "tpu.region"() ({
      %run_scoped3A_190 = tpu.sem_alloc : memref<!tpu.dma_semaphore, #tpu.memory_space<semaphore_mem>>
      %dma_start3A_191 = arith.constant 0 : i32
      %dma_start3A_192 = tpu.memref_slice %arg9[%add3A_111, %dma_start3A_191] : memref<10240x128xf32, #tpu.memory_space<vmem_shared>> -> memref<128x128xf32, #tpu.memory_space<vmem_shared>>
      %dma_start3A_193 = arith.constant 0 : i32
      %dma_start3A_194 = tpu.memref_slice %arg9[%add3A_111, %dma_start3A_193] : memref<10240x128xf32, #tpu.memory_space<vmem_shared>> -> memref<128x128xf32, #tpu.memory_space<vmem_shared>>
      tpu.enqueue_dma source(%dma_start3A_194 : memref<128x128xf32, #tpu.memory_space<vmem_shared>>) target(%arg7 : memref<128x128xf32, #tpu.memory_space<vmem>>) target_semaphore(%run_scoped3A_190 : memref<!tpu.dma_semaphore, #tpu.memory_space<semaphore_mem>>)
      %dma_wait3A_195 = arith.constant 0 : i32
      %dma_wait3A_196 = tpu.memref_slice %arg9[%add3A_111, %dma_wait3A_195] : memref<10240x128xf32, #tpu.memory_space<vmem_shared>> -> memref<128x128xf32, #tpu.memory_space<vmem_shared>>
      %dma_wait3A_197 = arith.constant 0 : i32
      %dma_wait3A_198 = tpu.memref_slice %arg9[%add3A_111, %dma_wait3A_197] : memref<10240x128xf32, #tpu.memory_space<vmem_shared>> -> memref<128x128xf32, #tpu.memory_space<vmem_shared>>
      tpu.wait_dma2 semaphore(%run_scoped3A_190 : memref<!tpu.dma_semaphore, #tpu.memory_space<semaphore_mem>>) src(%dma_wait3A_198 : memref<128x128xf32, #tpu.memory_space<vmem_shared>>) dst(%arg7 : memref<128x128xf32, #tpu.memory_space<vmem>>)
      tpu.yield
    }) : () -> ()
    %dma_start3A_112 = arith.constant 0 : i32
    %dma_start3A_113 = tpu.memref_slice %arg5[%arg0, %add3A_111, %dma_start3A_112] : memref<2x10240x128xf32, #tpu.memory_space<hbm>> -> memref<1x128x128xf32, #tpu.memory_space<hbm>>
    %dma_start3A_114 = tpu.memref_squeeze %dma_start3A_113 : memref<1x128x128xf32, #tpu.memory_space<hbm>> -> memref<128x128xf32, #tpu.memory_space<hbm>>
    %dma_start3A_115 = arith.constant 0 : i32
    %dma_start3A_116 = tpu.memref_slice %arg5[%arg0, %add3A_111, %dma_start3A_115] : memref<2x10240x128xf32, #tpu.memory_space<hbm>> -> memref<1x128x128xf32, #tpu.memory_space<hbm>>
    %dma_start3A_117 = tpu.memref_squeeze %dma_start3A_116 : memref<1x128x128xf32, #tpu.memory_space<hbm>> -> memref<128x128xf32, #tpu.memory_space<hbm>>
    tpu.enqueue_dma source(%arg7 : memref<128x128xf32, #tpu.memory_space<vmem>>) target(%dma_start3A_117 : memref<128x128xf32, #tpu.memory_space<hbm>>) target_semaphore(%arg12 : memref<!tpu.dma_semaphore, #tpu.memory_space<semaphore_mem>>)
    %add3A_118 = arith.constant 128 : i32
    %add3A_119 = arith.addi %mul3A_2, %add3A_118 : i32
    "tpu.region"() ({
      %run_scoped3A_190 = tpu.sem_alloc : memref<!tpu.dma_semaphore, #tpu.memory_space<semaphore_mem>>
      %dma_start3A_191 = arith.constant 0 : i32
      %dma_start3A_192 = tpu.memref_slice %arg9[%add3A_119, %dma_start3A_191] : memref<10240x128xf32, #tpu.memory_space<vmem_shared>> -> memref<128x128xf32, #tpu.memory_space<vmem_shared>>
      %dma_start3A_193 = arith.constant 0 : i32
      %dma_start3A_194 = tpu.memref_slice %arg9[%add3A_119, %dma_start3A_193] : memref<10240x128xf32, #tpu.memory_space<vmem_shared>> -> memref<128x128xf32, #tpu.memory_space<vmem_shared>>
      tpu.enqueue_dma source(%dma_start3A_194 : memref<128x128xf32, #tpu.memory_space<vmem_shared>>) target(%arg8 : memref<128x128xf32, #tpu.memory_space<vmem>>) target_semaphore(%run_scoped3A_190 : memref<!tpu.dma_semaphore, #tpu.memory_space<semaphore_mem>>)
      %dma_wait3A_195 = arith.constant 0 : i32
      %dma_wait3A_196 = tpu.memref_slice %arg9[%add3A_119, %dma_wait3A_195] : memref<10240x128xf32, #tpu.memory_space<vmem_shared>> -> memref<128x128xf32, #tpu.memory_space<vmem_shared>>
      %dma_wait3A_197 = arith.constant 0 : i32
      %dma_wait3A_198 = tpu.memref_slice %arg9[%add3A_119, %dma_wait3A_197] : memref<10240x128xf32, #tpu.memory_space<vmem_shared>> -> memref<128x128xf32, #tpu.memory_space<vmem_shared>>
      tpu.wait_dma2 semaphore(%run_scoped3A_190 : memref<!tpu.dma_semaphore, #tpu.memory_space<semaphore_mem>>) src(%dma_wait3A_198 : memref<128x128xf32, #tpu.memory_space<vmem_shared>>) dst(%arg8 : memref<128x128xf32, #tpu.memory_space<vmem>>)
      tpu.yield
    }) : () -> ()
    %dma_start3A_120 = arith.constant 0 : i32
    %dma_start3A_121 = tpu.memref_slice %arg5[%arg0, %add3A_119, %dma_start3A_120] : memref<2x10240x128xf32, #tpu.memory_space<hbm>> -> memref<1x128x128xf32, #tpu.memory_space<hbm>>
    %dma_start3A_122 = tpu.memref_squeeze %dma_start3A_121 : memref<1x128x128xf32, #tpu.memory_space<hbm>> -> memref<128x128xf32, #tpu.memory_space<hbm>>
    %dma_start3A_123 = arith.constant 0 : i32
    %dma_start3A_124 = tpu.memref_slice %arg5[%arg0, %add3A_119, %dma_start3A_123] : memref<2x10240x128xf32, #tpu.memory_space<hbm>> -> memref<1x128x128xf32, #tpu.memory_space<hbm>>
    %dma_start3A_125 = tpu.memref_squeeze %dma_start3A_124 : memref<1x128x128xf32, #tpu.memory_space<hbm>> -> memref<128x128xf32, #tpu.memory_space<hbm>>
    tpu.enqueue_dma source(%arg8 : memref<128x128xf32, #tpu.memory_space<vmem>>) target(%dma_start3A_125 : memref<128x128xf32, #tpu.memory_space<hbm>>) target_semaphore(%arg13 : memref<!tpu.dma_semaphore, #tpu.memory_space<semaphore_mem>>)
    %add3A_126 = arith.constant 256 : i32
    %add3A_127 = arith.addi %mul3A_2, %add3A_126 : i32
    %add3A_128 = arith.constant 0 : i32
    %add3A_129 = arith.addi %mul3A_2, %add3A_128 : i32
    %dma_wait3A_130 = arith.constant 0 : i32
    %dma_wait3A_131 = tpu.memref_slice %arg5[%arg0, %add3A_129, %dma_wait3A_130] : memref<2x10240x128xf32, #tpu.memory_space<hbm>> -> memref<1x128x128xf32, #tpu.memory_space<hbm>>
    %dma_wait3A_132 = tpu.memref_squeeze %dma_wait3A_131 : memref<1x128x128xf32, #tpu.memory_space<hbm>> -> memref<128x128xf32, #tpu.memory_space<hbm>>
    %dma_wait3A_133 = arith.constant 0 : i32
    %dma_wait3A_134 = tpu.memref_slice %arg5[%arg0, %add3A_129, %dma_wait3A_133] : memref<2x10240x128xf32, #tpu.memory_space<hbm>> -> memref<1x128x128xf32, #tpu.memory_space<hbm>>
    %dma_wait3A_135 = tpu.memref_squeeze %dma_wait3A_134 : memref<1x128x128xf32, #tpu.memory_space<hbm>> -> memref<128x128xf32, #tpu.memory_space<hbm>>
    tpu.wait_dma2 semaphore(%arg12 : memref<!tpu.dma_semaphore, #tpu.memory_space<semaphore_mem>>) src(%arg7 : memref<128x128xf32, #tpu.memory_space<vmem>>) dst(%dma_wait3A_135 : memref<128x128xf32, #tpu.memory_space<hbm>>)
    "tpu.region"() ({
      %run_scoped3A_190 = tpu.sem_alloc : memref<!tpu.dma_semaphore, #tpu.memory_space<semaphore_mem>>
      %dma_start3A_191 = arith.constant 0 : i32
      %dma_start3A_192 = tpu.memref_slice %arg9[%add3A_127, %dma_start3A_191] : memref<10240x128xf32, #tpu.memory_space<vmem_shared>> -> memref<128x128xf32, #tpu.memory_space<vmem_shared>>
      %dma_start3A_193 = arith.constant 0 : i32
      %dma_start3A_194 = tpu.memref_slice %arg9[%add3A_127, %dma_start3A_193] : memref<10240x128xf32, #tpu.memory_space<vmem_shared>> -> memref<128x128xf32, #tpu.memory_space<vmem_shared>>
      tpu.enqueue_dma source(%dma_start3A_194 : memref<128x128xf32, #tpu.memory_space<vmem_shared>>) target(%arg7 : memref<128x128xf32, #tpu.memory_space<vmem>>) target_semaphore(%run_scoped3A_190 : memref<!tpu.dma_semaphore, #tpu.memory_space<semaphore_mem>>)
      %dma_wait3A_195 = arith.constant 0 : i32
      %dma_wait3A_196 = tpu.memref_slice %arg9[%add3A_127, %dma_wait3A_195] : memref<10240x128xf32, #tpu.memory_space<vmem_shared>> -> memref<128x128xf32, #tpu.memory_space<vmem_shared>>
      %dma_wait3A_197 = arith.constant 0 : i32
      %dma_wait3A_198 = tpu.memref_slice %arg9[%add3A_127, %dma_wait3A_197] : memref<10240x128xf32, #tpu.memory_space<vmem_shared>> -> memref<128x128xf32, #tpu.memory_space<vmem_shared>>
      tpu.wait_dma2 semaphore(%run_scoped3A_190 : memref<!tpu.dma_semaphore, #tpu.memory_space<semaphore_mem>>) src(%dma_wait3A_198 : memref<128x128xf32, #tpu.memory_space<vmem_shared>>) dst(%arg7 : memref<128x128xf32, #tpu.memory_space<vmem>>)
      tpu.yield
    }) : () -> ()
    %dma_start3A_136 = arith.constant 0 : i32
    %dma_start3A_137 = tpu.memref_slice %arg5[%arg0, %add3A_127, %dma_start3A_136] : memref<2x10240x128xf32, #tpu.memory_space<hbm>> -> memref<1x128x128xf32, #tpu.memory_space<hbm>>
    %dma_start3A_138 = tpu.memref_squeeze %dma_start3A_137 : memref<1x128x128xf32, #tpu.memory_space<hbm>> -> memref<128x128xf32, #tpu.memory_space<hbm>>
    %dma_start3A_139 = arith.constant 0 : i32
    %dma_start3A_140 = tpu.memref_slice %arg5[%arg0, %add3A_127, %dma_start3A_139] : memref<2x10240x128xf32, #tpu.memory_space<hbm>> -> memref<1x128x128xf32, #tpu.memory_space<hbm>>
    %dma_start3A_141 = tpu.memref_squeeze %dma_start3A_140 : memref<1x128x128xf32, #tpu.memory_space<hbm>> -> memref<128x128xf32, #tpu.memory_space<hbm>>
    tpu.enqueue_dma source(%arg7 : memref<128x128xf32, #tpu.memory_space<vmem>>) target(%dma_start3A_141 : memref<128x128xf32, #tpu.memory_space<hbm>>) target_semaphore(%arg12 : memref<!tpu.dma_semaphore, #tpu.memory_space<semaphore_mem>>)
    %add3A_142 = arith.constant 384 : i32
    %add3A_143 = arith.addi %mul3A_2, %add3A_142 : i32
    %add3A_144 = arith.constant 128 : i32
    %add3A_145 = arith.addi %mul3A_2, %add3A_144 : i32
    %dma_wait3A_146 = arith.constant 0 : i32
    %dma_wait3A_147 = tpu.memref_slice %arg5[%arg0, %add3A_145, %dma_wait3A_146] : memref<2x10240x128xf32, #tpu.memory_space<hbm>> -> memref<1x128x128xf32, #tpu.memory_space<hbm>>
    %dma_wait3A_148 = tpu.memref_squeeze %dma_wait3A_147 : memref<1x128x128xf32, #tpu.memory_space<hbm>> -> memref<128x128xf32, #tpu.memory_space<hbm>>
    %dma_wait3A_149 = arith.constant 0 : i32
    %dma_wait3A_150 = tpu.memref_slice %arg5[%arg0, %add3A_145, %dma_wait3A_149] : memref<2x10240x128xf32, #tpu.memory_space<hbm>> -> memref<1x128x128xf32, #tpu.memory_space<hbm>>
    %dma_wait3A_151 = tpu.memref_squeeze %dma_wait3A_150 : memref<1x128x128xf32, #tpu.memory_space<hbm>> -> memref<128x128xf32, #tpu.memory_space<hbm>>
    tpu.wait_dma2 semaphore(%arg13 : memref<!tpu.dma_semaphore, #tpu.memory_space<semaphore_mem>>) src(%arg8 : memref<128x128xf32, #tpu.memory_space<vmem>>) dst(%dma_wait3A_151 : memref<128x128xf32, #tpu.memory_space<hbm>>)
    "tpu.region"() ({
      %run_scoped3A_190 = tpu.sem_alloc : memref<!tpu.dma_semaphore, #tpu.memory_space<semaphore_mem>>
      %dma_start3A_191 = arith.constant 0 : i32
      %dma_start3A_192 = tpu.memref_slice %arg9[%add3A_143, %dma_start3A_191] : memref<10240x128xf32, #tpu.memory_space<vmem_shared>> -> memref<128x128xf32, #tpu.memory_space<vmem_shared>>
      %dma_start3A_193 = arith.constant 0 : i32
      %dma_start3A_194 = tpu.memref_slice %arg9[%add3A_143, %dma_start3A_193] : memref<10240x128xf32, #tpu.memory_space<vmem_shared>> -> memref<128x128xf32, #tpu.memory_space<vmem_shared>>
      tpu.enqueue_dma source(%dma_start3A_194 : memref<128x128xf32, #tpu.memory_space<vmem_shared>>) target(%arg8 : memref<128x128xf32, #tpu.memory_space<vmem>>) target_semaphore(%run_scoped3A_190 : memref<!tpu.dma_semaphore, #tpu.memory_space<semaphore_mem>>)
      %dma_wait3A_195 = arith.constant 0 : i32
      %dma_wait3A_196 = tpu.memref_slice %arg9[%add3A_143, %dma_wait3A_195] : memref<10240x128xf32, #tpu.memory_space<vmem_shared>> -> memref<128x128xf32, #tpu.memory_space<vmem_shared>>
      %dma_wait3A_197 = arith.constant 0 : i32
      %dma_wait3A_198 = tpu.memref_slice %arg9[%add3A_143, %dma_wait3A_197] : memref<10240x128xf32, #tpu.memory_space<vmem_shared>> -> memref<128x128xf32, #tpu.memory_space<vmem_shared>>
      tpu.wait_dma2 semaphore(%run_scoped3A_190 : memref<!tpu.dma_semaphore, #tpu.memory_space<semaphore_mem>>) src(%dma_wait3A_198 : memref<128x128xf32, #tpu.memory_space<vmem_shared>>) dst(%arg8 : memref<128x128xf32, #tpu.memory_space<vmem>>)
      tpu.yield
    }) : () -> ()
    %dma_start3A_152 = arith.constant 0 : i32
    %dma_start3A_153 = tpu.memref_slice %arg5[%arg0, %add3A_143, %dma_start3A_152] : memref<2x10240x128xf32, #tpu.memory_space<hbm>> -> memref<1x128x128xf32, #tpu.memory_space<hbm>>
    %dma_start3A_154 = tpu.memref_squeeze %dma_start3A_153 : memref<1x128x128xf32, #tpu.memory_space<hbm>> -> memref<128x128xf32, #tpu.memory_space<hbm>>
    %dma_start3A_155 = arith.constant 0 : i32
    %dma_start3A_156 = tpu.memref_slice %arg5[%arg0, %add3A_143, %dma_start3A_155] : memref<2x10240x128xf32, #tpu.memory_space<hbm>> -> memref<1x128x128xf32, #tpu.memory_space<hbm>>
    %dma_start3A_157 = tpu.memref_squeeze %dma_start3A_156 : memref<1x128x128xf32, #tpu.memory_space<hbm>> -> memref<128x128xf32, #tpu.memory_space<hbm>>
    tpu.enqueue_dma source(%arg8 : memref<128x128xf32, #tpu.memory_space<vmem>>) target(%dma_start3A_157 : memref<128x128xf32, #tpu.memory_space<hbm>>) target_semaphore(%arg13 : memref<!tpu.dma_semaphore, #tpu.memory_space<semaphore_mem>>)
    %add3A_158 = arith.constant 512 : i32
    %add3A_159 = arith.addi %mul3A_2, %add3A_158 : i32
    %add3A_160 = arith.constant 256 : i32
    %add3A_161 = arith.addi %mul3A_2, %add3A_160 : i32
    %dma_wait3A_162 = arith.constant 0 : i32
    %dma_wait3A_163 = tpu.memref_slice %arg5[%arg0, %add3A_161, %dma_wait3A_162] : memref<2x10240x128xf32, #tpu.memory_space<hbm>> -> memref<1x128x128xf32, #tpu.memory_space<hbm>>
    %dma_wait3A_164 = tpu.memref_squeeze %dma_wait3A_163 : memref<1x128x128xf32, #tpu.memory_space<hbm>> -> memref<128x128xf32, #tpu.memory_space<hbm>>
    %dma_wait3A_165 = arith.constant 0 : i32
    %dma_wait3A_166 = tpu.memref_slice %arg5[%arg0, %add3A_161, %dma_wait3A_165] : memref<2x10240x128xf32, #tpu.memory_space<hbm>> -> memref<1x128x128xf32, #tpu.memory_space<hbm>>
    %dma_wait3A_167 = tpu.memref_squeeze %dma_wait3A_166 : memref<1x128x128xf32, #tpu.memory_space<hbm>> -> memref<128x128xf32, #tpu.memory_space<hbm>>
    tpu.wait_dma2 semaphore(%arg12 : memref<!tpu.dma_semaphore, #tpu.memory_space<semaphore_mem>>) src(%arg7 : memref<128x128xf32, #tpu.memory_space<vmem>>) dst(%dma_wait3A_167 : memref<128x128xf32, #tpu.memory_space<hbm>>)
    "tpu.region"() ({
      %run_scoped3A_190 = tpu.sem_alloc : memref<!tpu.dma_semaphore, #tpu.memory_space<semaphore_mem>>
      %dma_start3A_191 = arith.constant 0 : i32
      %dma_start3A_192 = tpu.memref_slice %arg9[%add3A_159, %dma_start3A_191] : memref<10240x128xf32, #tpu.memory_space<vmem_shared>> -> memref<128x128xf32, #tpu.memory_space<vmem_shared>>
      %dma_start3A_193 = arith.constant 0 : i32
      %dma_start3A_194 = tpu.memref_slice %arg9[%add3A_159, %dma_start3A_193] : memref<10240x128xf32, #tpu.memory_space<vmem_shared>> -> memref<128x128xf32, #tpu.memory_space<vmem_shared>>
      tpu.enqueue_dma source(%dma_start3A_194 : memref<128x128xf32, #tpu.memory_space<vmem_shared>>) target(%arg7 : memref<128x128xf32, #tpu.memory_space<vmem>>) target_semaphore(%run_scoped3A_190 : memref<!tpu.dma_semaphore, #tpu.memory_space<semaphore_mem>>)
      %dma_wait3A_195 = arith.constant 0 : i32
      %dma_wait3A_196 = tpu.memref_slice %arg9[%add3A_159, %dma_wait3A_195] : memref<10240x128xf32, #tpu.memory_space<vmem_shared>> -> memref<128x128xf32, #tpu.memory_space<vmem_shared>>
      %dma_wait3A_197 = arith.constant 0 : i32
      %dma_wait3A_198 = tpu.memref_slice %arg9[%add3A_159, %dma_wait3A_197] : memref<10240x128xf32, #tpu.memory_space<vmem_shared>> -> memref<128x128xf32, #tpu.memory_space<vmem_shared>>
      tpu.wait_dma2 semaphore(%run_scoped3A_190 : memref<!tpu.dma_semaphore, #tpu.memory_space<semaphore_mem>>) src(%dma_wait3A_198 : memref<128x128xf32, #tpu.memory_space<vmem_shared>>) dst(%arg7 : memref<128x128xf32, #tpu.memory_space<vmem>>)
      tpu.yield
    }) : () -> ()
    %dma_start3A_168 = arith.constant 0 : i32
    %dma_start3A_169 = tpu.memref_slice %arg5[%arg0, %add3A_159, %dma_start3A_168] : memref<2x10240x128xf32, #tpu.memory_space<hbm>> -> memref<1x128x128xf32, #tpu.memory_space<hbm>>
    %dma_start3A_170 = tpu.memref_squeeze %dma_start3A_169 : memref<1x128x128xf32, #tpu.memory_space<hbm>> -> memref<128x128xf32, #tpu.memory_space<hbm>>
    %dma_start3A_171 = arith.constant 0 : i32
    %dma_start3A_172 = tpu.memref_slice %arg5[%arg0, %add3A_159, %dma_start3A_171] : memref<2x10240x128xf32, #tpu.memory_space<hbm>> -> memref<1x128x128xf32, #tpu.memory_space<hbm>>
    %dma_start3A_173 = tpu.memref_squeeze %dma_start3A_172 : memref<1x128x128xf32, #tpu.memory_space<hbm>> -> memref<128x128xf32, #tpu.memory_space<hbm>>
    tpu.enqueue_dma source(%arg7 : memref<128x128xf32, #tpu.memory_space<vmem>>) target(%dma_start3A_173 : memref<128x128xf32, #tpu.memory_space<hbm>>) target_semaphore(%arg12 : memref<!tpu.dma_semaphore, #tpu.memory_space<semaphore_mem>>)
    %add3A_174 = arith.constant 384 : i32
    %add3A_175 = arith.addi %mul3A_2, %add3A_174 : i32
    %dma_wait3A_176 = arith.constant 0 : i32
    %dma_wait3A_177 = tpu.memref_slice %arg5[%arg0, %add3A_175, %dma_wait3A_176] : memref<2x10240x128xf32, #tpu.memory_space<hbm>> -> memref<1x128x128xf32, #tpu.memory_space<hbm>>
    %dma_wait3A_178 = tpu.memref_squeeze %dma_wait3A_177 : memref<1x128x128xf32, #tpu.memory_space<hbm>> -> memref<128x128xf32, #tpu.memory_space<hbm>>
    %dma_wait3A_179 = arith.constant 0 : i32
    %dma_wait3A_180 = tpu.memref_slice %arg5[%arg0, %add3A_175, %dma_wait3A_179] : memref<2x10240x128xf32, #tpu.memory_space<hbm>> -> memref<1x128x128xf32, #tpu.memory_space<hbm>>
    %dma_wait3A_181 = tpu.memref_squeeze %dma_wait3A_180 : memref<1x128x128xf32, #tpu.memory_space<hbm>> -> memref<128x128xf32, #tpu.memory_space<hbm>>
    tpu.wait_dma2 semaphore(%arg13 : memref<!tpu.dma_semaphore, #tpu.memory_space<semaphore_mem>>) src(%arg8 : memref<128x128xf32, #tpu.memory_space<vmem>>) dst(%dma_wait3A_181 : memref<128x128xf32, #tpu.memory_space<hbm>>)
    %add3A_182 = arith.constant 512 : i32
    %add3A_183 = arith.addi %mul3A_2, %add3A_182 : i32
    %dma_wait3A_184 = arith.constant 0 : i32
    %dma_wait3A_185 = tpu.memref_slice %arg5[%arg0, %add3A_183, %dma_wait3A_184] : memref<2x10240x128xf32, #tpu.memory_space<hbm>> -> memref<1x128x128xf32, #tpu.memory_space<hbm>>
    %dma_wait3A_186 = tpu.memref_squeeze %dma_wait3A_185 : memref<1x128x128xf32, #tpu.memory_space<hbm>> -> memref<128x128xf32, #tpu.memory_space<hbm>>
    %dma_wait3A_187 = arith.constant 0 : i32
    %dma_wait3A_188 = tpu.memref_slice %arg5[%arg0, %add3A_183, %dma_wait3A_187] : memref<2x10240x128xf32, #tpu.memory_space<hbm>> -> memref<1x128x128xf32, #tpu.memory_space<hbm>>
    %dma_wait3A_189 = tpu.memref_squeeze %dma_wait3A_188 : memref<1x128x128xf32, #tpu.memory_space<hbm>> -> memref<128x128xf32, #tpu.memory_space<hbm>>
    tpu.wait_dma2 semaphore(%arg12 : memref<!tpu.dma_semaphore, #tpu.memory_space<semaphore_mem>>) src(%arg7 : memref<128x128xf32, #tpu.memory_space<vmem>>) dst(%dma_wait3A_189 : memref<128x128xf32, #tpu.memory_space<hbm>>)
    return
  }
}

</mosaic_0001>

<sc_bundles>
// kernel: _aggregate.3.cloned.1.call-start
scs
__scs_entry_jumppad:
0x0: {  	(pc) =	sbr.rel $0x88, $3  }
0x1: {  	(tag) =	ssettag $0x0;
	lr =	simm.s32 $0x1  }
0x2: {  	[smem:$0x3F9E] =	sst lr;
	_ =	strace $0xD0000000  }
0x3: {  	_ = 	snop  }
0x4: {  	_ = 	snop  }
0x5: {  	_ = 	snop  }
0x6: {  	_ = 	snop  }
0x7: {  	_ = 	snop  }
__scs_overlays_trampoline_lowered:
0x8: {  	[smem:$0x3FAD] =	sst s0  }
0x9: {  	[smem:$0x3FAE] =	sst s1  }
0xa: {  	[smem:$0x3FAF] =	sst s2  }
0xb: {  	[smem:$0x3FB0] =	sst s3  }
0xc: {  	[smem:$0x3FB1] =	sst s4  }
0xd: {  	[smem:$0x3FB2] =	sst s5  }
0xe: {  	[smem:$0x3FB3] =	sst s6  }
0xf: {  	[smem:$0x3FB4] =	sst s7  }
0x10: {  	[smem:$0x3FB5] =	sst s8  }
0x11: {  	[smem:$0x3FB6] =	sst s9;
	s0 =	simm.s32 @!p0 $0x0  }
0x12: {  	s1 =	sld [smem:$0x3F9C];
	s0 =	simm.s32 @p0 $0x1  }
0x13: {  	[smem:$0x3FB7] =	sst s0;
	s0 =	simm.s32 @!p1 $0x0  }
0x14: {  	s2 =	sld [smem:$0x3F9B];
	s0 =	simm.s32 @p1 $0x1  }
0x15: {  	[smem:$0x3FB8] =	sst s0;
	s0 =	simm.s32 @!p2 $0x0  }
0x16: {  	s3 =	sld [smem:$0x3FDB];
	s0 =	simm.s32 @p2 $0x1  }
0x17: {  	s4 =	simm.s32 $0x1BF5;
	[smem:$0x3FBA] =	sst s0  }
0x18: {  	s0 =	sld [smem:$0x3F9D];
	_ =	swait.ge [sflag:s4], $0x0  }
0x19: {  	s7 =	sld [smem:$0x3F9E]  }
0x1a: {  	s8 =	sadd.s32 $0xFFFFE003, lr  }
0x1b: {  	s9 =	sadd.s32 $0xFFFFFEF7, lr;
	s5 =	simm.s32 $0xFFFFFFFF;
	p2 =	slt.u32 s8, $0xFFFFF086  }
0x1c: {  	p1 =	slt.u32 s9, $0xF7A;
	s5 =	simm.s32 @!p2 $0x0  }
0x1d: {  	s5 =	simm.s32 @p1 $0x1;
	p0 =	seq.s32 s7, s2  }
0x1e: {  	s7 =	smul.u32 @!p0 $0xF7A, s2;
	p2 =	seq.s32 @!p0 s5, $0x0  }
0x1f: {  	s9 =	smul.u32 $0xF7A, s1;
	s8 =	simm.s32 @!p0 $0x1BF5;
	p2 =	por !p2, p0  }
0x20: {  	[sflag:s8] =	ssyncset.s32 @!p0 $0xFFFFF086;
	s6 =	sadd.s32 @!p0 s3, s7;
	s7 =	simm.s32 @!p0 $0x108  }
0x21: {  	s3 =	sadd.s32 s3, s9;
	s6 =	sadd.s32 @!p0 $0x88, s6;
	s7 =	simm.s32 @p2 $0x1082  }
0x22: {  	[simem:s7], [sflag:s8] =	dma.local @!p0 [hbm:s6], $0xF7A  }
0x23: {  	s9 =	sor.u32 $0xD0000000, s2;
	s6 =	simm.s32 $0x108;
	_ =	swait.ge @!p0 [sflag:s8], $0x0  }
0x24: {  	s3 =	sadd.s32 $0x88, s3;
	s6 =	simm.s32 @!p1 $0x1082;
	[sflag:s4] =	ssyncset.s32 $0xFFFFF086  }
0x25: {  	[simem:s6], [sflag:s4] =	dma.local [hbm:s3], $0xF7A  }
0x26: {  	[smem:$0x3F9E] =	sst s1;
	(tag) =	ssettag s2;
	_ =	strace s9  }
0x27: {  	s1 =	sld [smem:$0x3FAE]  }
0x28: {  	s2 =	sld [smem:$0x3FAF]  }
0x29: {  	s4 =	sld [smem:$0x3FB1]  }
0x2a: {  	p0 =	seq.s32 s5, $0x0;
	s5 =	sld [smem:$0x3FB2]  }
0x2b: {  	s6 =	sld [smem:$0x3FB3]  }
0x2c: {  	s7 =	sld [smem:$0x3FB4]  }
0x2d: {  	s3 =	simm.s32 $0x108;
	s8 =	sld [smem:$0x3FB5]  }
0x2e: {  	s3 =	simm.s32 @!p0 $0x1082;
	s9 =	sld [smem:$0x3FB6]  }
0x2f: {  	lr =	sadd.s32 s0, s3;
	s0 =	sld [smem:$0x3FAD]  }
0x30: {  	s3 =	sld [smem:$0x3FB0]  }
0x31: {  	[smem:$0x3FB9] =	sst s10  }
0x32: {  	s10 =	sld [smem:$0x3FB7];
	_ =	sdelay $0x3  }
0x33: {  	p0 =	seq.s32 s10, $0x1;
	s10 =	sld [smem:$0x3FB9];
	_ =	sdelay $0x3  }
0x34: {  	[smem:$0x3FB9] =	sst s10  }
0x35: {  	s10 =	sld [smem:$0x3FB8];
	_ =	sdelay $0x3  }
0x36: {  	p1 =	seq.s32 s10, $0x1;
	s10 =	sld [smem:$0x3FB9];
	_ =	sdelay $0x3  }
0x37: {  	[smem:$0x3FB9] =	sst s10  }
0x38: {  	s10 =	sld [smem:$0x3FBA]  }
0x39: {  	_ = 	snop;
	(pc) =	sbr.ind lr, $3  }
0x3a: {  	_ = 	snop  }
0x3b: {  	_ = 	snop  }
0x3c: {  	p2 =	seq.s32 s10, $0x1;
	s10 =	sld [smem:$0x3FB9]  }
0x3d: {  	_ =	shalt  }
0x3e: {  	_ =	shalt  }
0x3f: {  	_ =	shalt  }
0x40: {  	_ =	shalt  }
0x41: {  	_ =	shalt  }
0x42: {  	_ =	shalt  }
0x43: {  	_ =	shalt  }
0x44: {  	_ =	shalt  }
0x45: {  	_ =	shalt  }
0x46: {  	_ =	shalt  }
0x47: {  	_ =	shalt  }
0x48: {  	_ =	shalt  }
0x49: {  	_ =	shalt  }
0x4a: {  	_ =	shalt  }
0x4b: {  	_ =	shalt  }
0x4c: {  	_ =	shalt  }
0x4d: {  	_ =	shalt  }
0x4e: {  	_ =	shalt  }
0x4f: {  	_ =	shalt  }
0x50: {  	_ =	shalt  }
0x51: {  	_ =	shalt  }
0x52: {  	_ =	shalt  }
0x53: {  	_ =	shalt  }
0x54: {  	_ =	shalt  }
0x55: {  	_ =	shalt  }
0x56: {  	_ =	shalt  }
0x57: {  	_ =	shalt  }
0x58: {  	_ =	shalt  }
0x59: {  	_ =	shalt  }
0x5a: {  	_ =	shalt  }
0x5b: {  	_ =	shalt  }
0x5c: {  	_ =	shalt  }
0x5d: {  	_ =	shalt  }
0x5e: {  	_ =	shalt  }
0x5f: {  	_ =	shalt  }
0x60: {  	_ =	shalt  }
0x61: {  	_ =	shalt  }
0x62: {  	_ =	shalt  }
0x63: {  	_ =	shalt  }
0x64: {  	_ =	shalt  }
0x65: {  	_ =	shalt  }
0x66: {  	_ =	shalt  }
0x67: {  	_ =	shalt  }
0x68: {  	_ =	shalt  }
0x69: {  	_ =	shalt  }
0x6a: {  	_ =	shalt  }
0x6b: {  	_ =	shalt  }
0x6c: {  	_ =	shalt  }
0x6d: {  	_ =	shalt  }
0x6e: {  	_ =	shalt  }
0x6f: {  	_ =	shalt  }
0x70: {  	_ =	shalt  }
0x71: {  	_ =	shalt  }
0x72: {  	_ =	shalt  }
0x73: {  	_ =	shalt  }
0x74: {  	_ =	shalt  }
0x75: {  	_ =	shalt  }
0x76: {  	_ =	shalt  }
0x77: {  	_ =	shalt  }
0x78: {  	_ =	shalt  }
0x79: {  	_ =	shalt  }
0x7a: {  	_ =	shalt  }
0x7b: {  	_ =	shalt  }
0x7c: {  	_ =	shalt  }
0x7d: {  	_ =	shalt  }
0x7e: {  	_ =	shalt  }
0x7f: {  	_ =	shalt  }
0x80: {  	_ =	shalt  }
0x81: {  	_ =	shalt  }
0x82: {  	_ =	shalt  }
0x83: {  	_ =	shalt  }
0x84: {  	_ =	shalt  }
0x85: {  	_ =	shalt  }
0x86: {  	_ =	shalt  }
0x87: {  	_ =	shalt  }
.Lfunc_end0:
.L_simem_size_0:
called_computation_lowered:
.L_overlay_start_0:
0x88: {  	s2 =	sld [smem:$0x3FD9]  }
0x89: {  	s3 =	sld [smem:$0x3FFE];
	_ =	sdelay $0x1  }
0x8a: {  	s1 =	srdreg.scid  }
0x8b: {  	s0 =	sand.u32 $0x1, s1  }
0x8c: {  	s18 =	sshll.u32 s0, $0xA;
	s2 =	sadd.s32 s3, s2  }
0x8d: {  	s2 =	sadd.s32 s2, s18  }
0x8e: {  	[smem:$0x3FC5] =	sst s2  }
0x8f: {  	_ = 	snop  }
0x90: {  	s2 =	sld [smem:$0x3FC9]  }
0x91: {  	s19 =	sld [smem:$0x3FC8]  }
0x92: {  	s4 =	sld [smem:$0x3FC7]  }
0x93: {  	s5 =	sld [smem:$0x3FD0];
	(tm) =	ssettm $0x1  }
0x94: {  	s6 =	sld [smem:$0x3FFB];
	_ =	sdelay $0x3  }
0x95: {  	_ =	strace s6  }
0x96: {  	s6 =	sld [smem:$0x3FFC];
	_ =	sdelay $0x3  }
0x97: {  	_ =	strace s6  }
0x98: {  	s6 =	sld [smem:$0x3FFD];
	_ =	sdelay $0x3  }
0x99: {  	_ =	strace s6  }
0x9a: {  	_ =	strace $0x8FFFFFFF  }
0x9b: {  	s20 =	sld [smem:$0x3FDB];
	_ =	sdelay $0x1  }
0x9c: {  	s7 =	simm.s32 $_scs_section_size  }
0x9d: {  	s8 =	simm.s32 $_size__tile_overlayer_lowered;
	s9 =	simm.s32 $_tile_overlayer_lowered  }
0x9e: {  	s23 =	simm.s32 $0x1BFF;
	s22 =	sshll.u32 s9, $0x1;
	s6 =	sadd.s32 s7, s20  }
0x9f: {  	s10 =	simm.s32 $0x0;
	s21 =	sshll.u32 s8, $0x1;
	s8 =	sadd.s32 s22, s6  }
0xa0: {  	[timem:s10], [sflag:s23] =	dma.local [hbm:s8], s21  }
0xa1: {  	_ =	swait.ge [sflag:s23], s21  }
0xa2: {  	s7 =	ssub.s32 $0x0, s21;
	[sflag:s23] =	ssyncset.done $0x0  }
0xa3: {  	[sflag:s23] =	ssyncadd.s32 s7;
	_ =	sdelay $0x1  }
0xa4: {  	s24 =	simm.s32 $0x1B8B  }
0xa5: {  	_ =	swait.ge [sflag:s24], $0x1  }
0xa6: {  	[sflag:s24] =	ssyncset.done $0x0  }
0xa7: {  	s25 =	simm.s32 $0x1B8E;
	[sflag:s24] =	ssyncadd.s32 $0xFFFFFFFF  }
0xa8: {  	s26 =	simm.s32 $execute0_lowered;
	[smem:$0x3FD2] =	sst s25  }
0xa9: {  	s7 =	sshll.u32 s26, $0x1;
	_ =	strace $0x80000046;
	[dreg:$0x1] =	wrdreg $0xFFFFFFFF  }
0xaa: {  	s28 =	simm.s32 $_size_execute0_lowered;
	s6 =	sadd.s32 s6, s7;
	[dreg:$0x0] =	wrdreg $0x0  }
0xab: {  	s7 =	sshll.u32 s28, $0x1;
	[dreg:$0x2] =	wrdreg s6  }
0xac: {  	[dreg:$0x3] =	wrdreg s7  }
0xad: {  	[dreg:$0x4] =	wrdreg $0xC0  }
0xae: {  	_ =	task [dreg:s10], $0x5FFFF  }
0xaf: {  	[dreg:$0x1] =	wrdreg $0xFFFFFFFF  }
0xb0: {  	[dreg:$0x0] =	wrdreg $0x60  }
0xb1: {  	[dreg:$0x2] =	wrdreg s2  }
0xb2: {  	[dreg:$0x3] =	wrdreg s19  }
0xb3: {  	[dreg:$0x4] =	wrdreg s4  }
0xb4: {  	[dreg:$0x5] =	wrdreg s5  }
0xb5: {  	[dreg:$0x6] =	wrdreg $0xA7000  }
0xb6: {  	[dreg:$0x7] =	wrdreg $0x9  }
0xb7: {  	_ =	task.clear_ibuf [dreg:s10], $0x8FFFF;
	_ =	strace $0x90000046  }
0xb8: {  	s29 =	simm.s32 $0x9;
	_ =	strace $0x80000048  }
0xb9: {  	_ =	swait.ge [sflag:s29], $0x1  }
0xba: {  	[sflag:s29] =	ssyncadd.s32 $0xFFFFFFFF  }
0xbb: {  	_ =	strace $0x90000048  }
0xbc: {  	_ =	sfence  }
0xbd: {  	s30 =	sld [smem:$0x0];
	_ =	sdelay $0x2  }
0xbe: {  	s31 =	sshll.u32 s1, $0xD;
	s1 =	sshrl.u32 s1, $0x2  }
0xbf: {  	s3 =	sand.u32 $0x4000, s31;
	s1 =	sadd.s32 s1, s30  }
0xc0: {  	s0 =	sor.u32 s3, s0;
	s1 =	sshll.u32 s1, $0x11  }
0xc1: {  	s0 =	sor.u32 s1, s0  }
0xc2: {  	s0 =	sadd.s32 $0x8F2B, s0  }
0xc3: {  	[sflag:s0] =	ssyncadd.remote.s32 $0x1  }
0xc4: {  	_ =	sfence.sel $0xFFFF  }
0xc5: {  	[dreg:$0x0] =	wrdreg $0xFFFFFFFF;
	(pc) =	sbr.abs _section_cstart, $3  }
0xc6: {  	[dreg:$0x1] =	wrdreg $0xFFFFFFFF  }
0xc7: {  	_ =	task.clear_ibuf [dreg:s10], $0x2FFFF;
	_ =	strace $0x9FFFFFFF  }
0xc8: {  	(tm) =	ssettm $0x7FFFFFFF  }
0xc9: {  	_ =	shalt  }
tec
execute0_lowered:
.L_overlay_start_1:
0x0: {  	(tag) =	ssettag $0x1  }
0x1: {  	s0 =	rddreg [dreg:$0x0]  }
0x2: {  	s13 =	rddreg [dreg:$0x1]  }
0x3: {  	s1 =	srdreg.scid;
	s18 =	rddreg [dreg:$0x3]  }
0x4: {  	s26 =	stileid.u32;
	s4 =	rddreg [dreg:$0x4];
	s5 =	simm.s32 $0x0  }
0x5: {  	s23 =	simm.s32 $0x6700;
	s24 =	simm.s32 $0x3;
	s28 =	simm.s32 $0x2680  }
0x6: {  	s29 =	simm.s32 $0x4;
	s30 =	simm.s32 $0x0;
	s8 =	smul.u32 $0x50000, s26  }
0x7: {  	s10 =	sand.u32 $0x1, s1;
	[smem:$0x7FF] =	sst s5;
	s14 =	smul.u32 $0x14000, s26  }
0x8: {  	s22 =	sshll.u32 s26, $0x5;
	s3 =	sshll.u32 s10, $0x4;
	s7 =	ssub.s32 $0x2, s10  }
0x9: {  	_ =	strace $0x80000047;
	s21 =	smul.u32 $0x140000, s10;
	s25 =	sor.u32 s26, s3  }
0xa: {  	s9 =	sshrl.u32 s7, $0x1;
	s31 =	sshrl.u32 s8, $0x2;
	s15 =	sadd.s32 $0x4000, s14  }
0xb: {  	s16 =	sadd.s32 $0x8000, s14;
	s17 =	sadd.s32 $0xC000, s14;
	s20 =	sadd.s32 $0x10000, s14  }
0xc: {  	s26 =	simm.s32 $0x2;
	s6 =	smul.u32 $0x9C0, s25;
	s19 =	ssub.s32 s7, s9  }
0xd: {  	s11 =	smul.u32 $0x4E00, s25;
	s7 =	sadd.s32 s31, s4;
	s8 =	sadd.s32 s15, s4  }
0xe: {  	s9 =	sadd.s32 s16, s4;
	s10 =	sadd.s32 s17, s4;
	s14 =	sadd.s32 s14, s21  }
0xf: {  	s15 =	sadd.s32 s21, s15;
	s16 =	sadd.s32 s21, s16;
	s17 =	sadd.s32 s21, s17  }
0x10: {  	p0 =	sgt.u32 s25, $0x3;
	s25 =	simm.s32 $0x1;
	s14 =	sshrl.u32 s14, $0x3  }
0x11: {  	s15 =	sshrl.u32 s15, $0x3;
	s16 =	sshrl.u32 s16, $0x3;
	s17 =	sshrl.u32 s17, $0x3  }
0x12: {  	s19 =	smax.u32 s19, $0x1;
	s6 =	sadd.s32 s13, s6;
	s11 =	sshrl.u32 s11, $0x3  }
0x13: {  	s14 =	sadd.s32 s18, s14;
	s15 =	sadd.s32 s18, s15;
	s16 =	sadd.s32 s18, s16  }
0x14: {  	s17 =	sadd.s32 s18, s17;
	s12 =	sadd.s32 s13, s11;
	s11 =	sadd.s32 s20, s4  }
0x15: {  	s13 =	sadd.s32 s22, s13;
	s20 =	sadd.s32 s21, s20;
	s21 =	simm.s32 $0x80  }
0x16: {  	s22 =	simm.s32 $0x2700;
	s12 =	sadd.s32 $0x4E0, s12;
	s20 =	sshrl.u32 s20, $0x3  }
0x17: {  	s13 =	sadd.s32 $0x13800, s13;
	s18 =	sadd.s32 s18, s20;
	s20 =	simm.s32 $0x5  }
.LBB2_1:
0x18: {  	[tilespmem:s5], [sflag:$0x5] =	stream.linear.gather [hbm4b:s6+s5], $0x2700, $0x38;
	[tilespmem:$0x1E700] =	vst v63  }
0x19: {  	_ =	swait.ge [sflag:s20], $0x2700  }
0x1a: {  	[sflag:s20] =	ssyncset.done $0x0  }
0x1b: {  	[sflag:s20] =	ssyncadd.s32 $0xFFFFD900  }
0x1c: {  	[tilespmem:s22], [sflag:$0x1] =	stream.indirect.gather [hbm4b:s0+s21], $0x80, s5, s21, $0xb8;
	[tilespmem:$0x1E700] =	vst v63  }
0x1d: {  	s1 =	rddreg [dreg:$0x2]  }
0x1e: {  	[tilespmem:s23], [sflag:$0x5] =	stream.linear.gather [hbm4b:s1+s5], $0x4000, $0x38;
	[tilespmem:$0x1E700] =	vst v63  }
0x1f: {  	_ =	swait.ge [sflag:s20], $0x4000  }
0x20: {  	[sflag:s20] =	ssyncset.done $0x0  }
0x21: {  	[sflag:s20] =	ssyncadd.s32 $0xFFFFC000  }
0x22: {  	[spmem:s7] =	stream.linear.scatter [tilespmem:s23], [sflag:$0x3], $0x4000, $0x38;
	[tilespmem:$0x1E700] =	vst v63  }
0x23: {  	_ = 	snop  }
0x24: {  	[spmem:s8] =	stream.linear.scatter [tilespmem:s23], [sflag:$0x3], $0x4000, $0x38;
	[tilespmem:$0x1E700] =	vst v63  }
0x25: {  	_ = 	snop  }
0x26: {  	[spmem:s9] =	stream.linear.scatter [tilespmem:s23], [sflag:$0x3], $0x4000, $0x38;
	[tilespmem:$0x1E700] =	vst v63  }
0x27: {  	_ = 	snop  }
0x28: {  	[spmem:s10] =	stream.linear.scatter [tilespmem:s23], [sflag:$0x3], $0x4000, $0x38;
	[tilespmem:$0x1E700] =	vst v63  }
0x29: {  	_ = 	snop  }
0x2a: {  	[spmem:s11] =	stream.linear.scatter [tilespmem:s23], [sflag:$0x3], $0x4000, $0x38;
	[tilespmem:$0x1E700] =	vst v63  }
0x2b: {  	_ =	swait.ge [sflag:s24], $0x4000  }
0x2c: {  	[sflag:s24] =	ssyncset.done $0x0  }
0x2d: {  	[sflag:s24] =	ssyncadd.s32 $0xFFFFC000  }
0x2e: {  	_ =	swait.ge [sflag:s24], $0x4000  }
0x2f: {  	[sflag:s24] =	ssyncset.done $0x0  }
0x30: {  	[sflag:s24] =	ssyncadd.s32 $0xFFFFC000  }
0x31: {  	_ =	swait.ge [sflag:s24], $0x4000  }
0x32: {  	[sflag:s24] =	ssyncset.done $0x0  }
0x33: {  	[sflag:s24] =	ssyncadd.s32 $0xFFFFC000  }
0x34: {  	_ =	swait.ge [sflag:s24], $0x4000  }
0x35: {  	[sflag:s24] =	ssyncset.done $0x0  }
0x36: {  	[sflag:s24] =	ssyncadd.s32 $0xFFFFC000  }
0x37: {  	_ =	swait.ge [sflag:s24], $0x4000  }
0x38: {  	[sflag:s24] =	ssyncset.done $0x0  }
0x39: {  	[sflag:s24] =	ssyncadd.s32 $0xFFFFC000  }
0x3a: {  	[bflag:$0x0] =	sbarrier.arrive $0xFFFF  }
0x3b: {  	_ =	swait.ge [sflag:s25], $0x4000  }
0x3c: {  	[sflag:s25] =	ssyncset.done $0x0  }
0x3d: {  	s31 =	simm.s32 $0x100;
	[sflag:s25] =	ssyncadd.s32 $0xFFFFC000  }
0x3e: {  	[tilespmem:s23], [sflag:$0x2] =	stream.indirect.gather [hbm4b:s0+s21], $0x80, s31, s21, $0xb8;
	[tilespmem:$0x1E700] =	vst v63  }
0x3f: {  	s31 =	simm.s32 $0x80  }
0x40: {  	[spmem:s4] =	stream.indirect.scatter.add.f32 [tilespmem:s22], [sflag:$0x5], $0x80, s31, s21, $0xb8;
	[tilespmem:$0x1E700] =	vst v63  }
0x41: {  	_ =	swait.ge [sflag:s20], $0x4000  }
0x42: {  	[sflag:s20] =	ssyncset.done $0x0  }
0x43: {  	[sflag:s20] =	ssyncadd.s32 $0xFFFFC000  }
0x44: {  	_ =	swait.ge [sflag:s26], $0x4000  }
0x45: {  	[sflag:s26] =	ssyncset.done $0x0  }
0x46: {  	s31 =	simm.s32 $0x200;
	[sflag:s26] =	ssyncadd.s32 $0xFFFFC000  }
0x47: {  	[tilespmem:s22], [sflag:$0x1] =	stream.indirect.gather [hbm4b:s0+s21], $0x80, s31, s21, $0xb8;
	[tilespmem:$0x1E700] =	vst v63  }
0x48: {  	s31 =	simm.s32 $0x180  }
0x49: {  	[spmem:s4] =	stream.indirect.scatter.add.f32 [tilespmem:s23], [sflag:$0x5], $0x80, s31, s21, $0xb8;
	[tilespmem:$0x1E700] =	vst v63  }
0x4a: {  	_ =	swait.ge [sflag:s20], $0x4000  }
0x4b: {  	s31 =	simm.s32 $0xFFFF7000;
	[sflag:s20] =	ssyncset.done $0x0  }
.LBB2_2:
0x4c: {  	p1 =	sne.s32 s31, $0xFFFFF800  }
0x4d: {  	[sflag:s20] =	ssyncadd.s32 $0xFFFFC000;
	s3 =	smov.u32 s31;
	s31 =	sadd.s32 $0x800, s31  }
0x4e: {  	_ = 	snop  }
0x4f: {  	_ =	swait.ge [sflag:s25], $0x4000  }
0x50: {  	s3 =	sshra.s32 s3, $0x2;
	[sflag:s25] =	ssyncset.done $0x0  }
0x51: {  	s1 =	sadd.s32 $0x2700, s3;
	[sflag:s25] =	ssyncadd.s32 $0xFFFFC000  }
0x52: {  	[tilespmem:s23], [sflag:$0x2] =	stream.indirect.gather [hbm4b:s0+s21], $0x80, s1, s21, $0xb8;
	[tilespmem:$0x1E700] =	vst v63  }
0x53: {  	s1 =	sadd.s32 $0x2680, s3  }
0x54: {  	[spmem:s4] =	stream.indirect.scatter.add.f32 [tilespmem:s22], [sflag:$0x5], $0x80, s1, s21, $0xb8;
	[tilespmem:$0x1E700] =	vst v63  }
0x55: {  	_ =	swait.ge [sflag:s20], $0x4000  }
0x56: {  	[sflag:s20] =	ssyncset.done $0x0  }
0x57: {  	[sflag:s20] =	ssyncadd.s32 $0xFFFFC000  }
0x58: {  	_ =	swait.ge [sflag:s26], $0x4000  }
0x59: {  	[sflag:s26] =	ssyncset.done $0x0  }
0x5a: {  	s1 =	sadd.s32 $0x2800, s3;
	[sflag:s26] =	ssyncadd.s32 $0xFFFFC000  }
0x5b: {  	[tilespmem:s22], [sflag:$0x1] =	stream.indirect.gather [hbm4b:s0+s21], $0x80, s1, s21, $0xb8;
	[tilespmem:$0x1E700] =	vst v63  }
.Ltmp0:
0x5c: {  	_ = 	snop;
	(pc) =	sbr.rel @p1 .LBB2_2-.Ltmp0, $4  }
0x5d: {  	s1 =	sadd.s32 $0x2780, s3  }
0x5e: {  	[spmem:s4] =	stream.indirect.scatter.add.f32 [tilespmem:s23], [sflag:$0x5], $0x80, s1, s21, $0xb8;
	[tilespmem:$0x1E700] =	vst v63  }
0x5f: {  	_ =	swait.ge [sflag:s20], $0x4000  }
0x60: {  	[sflag:s20] =	ssyncset.done $0x0  }
0x61: {  	[sflag:s20] =	ssyncadd.s32 $0xFFFFC000  }
0x62: {  	_ =	swait.ge [sflag:s25], $0x4000  }
0x63: {  	[sflag:s25] =	ssyncset.done $0x0  }
0x64: {  	[sflag:s25] =	ssyncadd.s32 $0xFFFFC000  }
0x65: {  	[spmem:s4] =	stream.indirect.scatter.add.f32 [tilespmem:s22], [sflag:$0x5], $0x80, s28, s21, $0xb8;
	[tilespmem:$0x1E700] =	vst v63  }
0x66: {  	_ =	swait.ge [sflag:s20], $0x4000  }
0x67: {  	[sflag:s20] =	ssyncset.done $0x0  }
0x68: {  	[sflag:s20] =	ssyncadd.s32 $0xFFFFC000  }
0x69: {  	[tilespmem:s5], [sflag:$0x5] =	stream.linear.gather [hbm4b:s12+s5], $0x2700, $0x38;
	[tilespmem:$0x1E700] =	vst v63  }
0x6a: {  	_ =	swait.ge [sflag:s20], $0x2700  }
0x6b: {  	[sflag:s20] =	ssyncset.done $0x0  }
0x6c: {  	[sflag:s20] =	ssyncadd.s32 $0xFFFFD900  }
0x6d: {  	[tilespmem:s22], [sflag:$0x1] =	stream.indirect.gather [hbm4b:s0+s21], $0x80, s5, s21, $0xb8;
	[tilespmem:$0x1E700] =	vst v63  }
0x6e: {  	_ =	swait.ge [sflag:s25], $0x4000  }
0x6f: {  	[sflag:s25] =	ssyncset.done $0x0  }
0x70: {  	s1 =	simm.s32 $0x100;
	[sflag:s25] =	ssyncadd.s32 $0xFFFFC000  }
0x71: {  	[tilespmem:s23], [sflag:$0x2] =	stream.indirect.gather [hbm4b:s0+s21], $0x80, s1, s21, $0xb8;
	[tilespmem:$0x1E700] =	vst v63  }
0x72: {  	s3 =	simm.s32 $0x80  }
0x73: {  	[spmem:s4] =	stream.indirect.scatter.add.f32 [tilespmem:s22], [sflag:$0x5], $0x80, s3, s21, $0xb8;
	[tilespmem:$0x1E700] =	vst v63  }
0x74: {  	_ =	swait.ge [sflag:s20], $0x4000  }
0x75: {  	[sflag:s20] =	ssyncset.done $0x0  }
0x76: {  	[sflag:s20] =	ssyncadd.s32 $0xFFFFC000  }
0x77: {  	_ =	swait.ge [sflag:s26], $0x4000  }
0x78: {  	[sflag:s26] =	ssyncset.done $0x0  }
0x79: {  	s2 =	simm.s32 $0x200;
	[sflag:s26] =	ssyncadd.s32 $0xFFFFC000  }
0x7a: {  	[tilespmem:s22], [sflag:$0x1] =	stream.indirect.gather [hbm4b:s0+s21], $0x80, s2, s21, $0xb8;
	[tilespmem:$0x1E700] =	vst v63  }
0x7b: {  	s3 =	simm.s32 $0x180  }
0x7c: {  	[spmem:s4] =	stream.indirect.scatter.add.f32 [tilespmem:s23], [sflag:$0x5], $0x80, s3, s21, $0xb8;
	[tilespmem:$0x1E700] =	vst v63  }
0x7d: {  	_ =	swait.ge [sflag:s20], $0x4000  }
0x7e: {  	s31 =	simm.s32 $0xFFFF7000;
	[sflag:s20] =	ssyncset.done $0x0  }
.LBB2_4:
0x7f: {  	p1 =	sne.s32 s31, $0xFFFFF800  }
0x80: {  	[sflag:s20] =	ssyncadd.s32 $0xFFFFC000;
	s1 =	smov.u32 s31;
	s31 =	sadd.s32 $0x800, s31  }
0x81: {  	_ = 	snop  }
0x82: {  	_ =	swait.ge [sflag:s25], $0x4000  }
0x83: {  	s1 =	sshra.s32 s1, $0x2;
	[sflag:s25] =	ssyncset.done $0x0  }
0x84: {  	s3 =	sadd.s32 $0x2700, s1;
	[sflag:s25] =	ssyncadd.s32 $0xFFFFC000  }
0x85: {  	[tilespmem:s23], [sflag:$0x2] =	stream.indirect.gather [hbm4b:s0+s21], $0x80, s3, s21, $0xb8;
	[tilespmem:$0x1E700] =	vst v63  }
0x86: {  	s3 =	sadd.s32 $0x2680, s1  }
0x87: {  	[spmem:s4] =	stream.indirect.scatter.add.f32 [tilespmem:s22], [sflag:$0x5], $0x80, s3, s21, $0xb8;
	[tilespmem:$0x1E700] =	vst v63  }
0x88: {  	_ =	swait.ge [sflag:s20], $0x4000  }
0x89: {  	[sflag:s20] =	ssyncset.done $0x0  }
0x8a: {  	[sflag:s20] =	ssyncadd.s32 $0xFFFFC000  }
0x8b: {  	_ =	swait.ge [sflag:s26], $0x4000  }
0x8c: {  	[sflag:s26] =	ssyncset.done $0x0  }
0x8d: {  	s3 =	sadd.s32 $0x2800, s1;
	[sflag:s26] =	ssyncadd.s32 $0xFFFFC000  }
0x8e: {  	[tilespmem:s22], [sflag:$0x1] =	stream.indirect.gather [hbm4b:s0+s21], $0x80, s3, s21, $0xb8;
	[tilespmem:$0x1E700] =	vst v63  }
.Ltmp1:
0x8f: {  	_ = 	snop;
	(pc) =	sbr.rel @p1 .LBB2_4-.Ltmp1, $4  }
0x90: {  	s1 =	sadd.s32 $0x2780, s1  }
0x91: {  	[spmem:s4] =	stream.indirect.scatter.add.f32 [tilespmem:s23], [sflag:$0x5], $0x80, s1, s21, $0xb8;
	[tilespmem:$0x1E700] =	vst v63  }
0x92: {  	_ =	swait.ge [sflag:s20], $0x4000  }
0x93: {  	[sflag:s20] =	ssyncset.done $0x0  }
0x94: {  	[sflag:s20] =	ssyncadd.s32 $0xFFFFC000  }
0x95: {  	_ =	swait.ge [sflag:s25], $0x4000  }
0x96: {  	[sflag:s25] =	ssyncset.done $0x0  }
0x97: {  	[sflag:s25] =	ssyncadd.s32 $0xFFFFC000  }
0x98: {  	[spmem:s4] =	stream.indirect.scatter.add.f32 [tilespmem:s22], [sflag:$0x5], $0x80, s28, s21, $0xb8;
	[tilespmem:$0x1E700] =	vst v63  }
0x99: {  	_ =	swait.ge [sflag:s20], $0x4000  }
0x9a: {  	[sflag:s20] =	ssyncset.done $0x0  }
0x9b: {  	s1 =	simm.s32 @!p0 $0x0;
	s3 =	simm.s32 @!p0 $0x5;
	[sflag:s20] =	ssyncadd.s32 $0xFFFFC000  }
0x9c: {  	[tilespmem:s1], [sflag:$0x5] =	stream.linear.gather @!p0 [hbm4b:s13+s1], $0x100, $0x38;
	[tilespmem:$0x1E700] =	vst v63  }
0x9d: {  	_ =	swait.ge @!p0 [sflag:s3], $0x100  }
0x9e: {  	[sflag:s3] =	ssyncset.done @!p0 $0x0  }
0x9f: {  	s31 =	simm.s32 @!p0 $0x80;
	s2 =	simm.s32 @!p0 $0x2700;
	[sflag:s3] =	ssyncadd.s32 @!p0 $0xFFFFFF00  }
0xa0: {  	[tilespmem:s2], [sflag:$0x1] =	stream.indirect.gather @!p0 [hbm4b:s0+s31], $0x80, s1, s31, $0xb8;
	[tilespmem:$0x1E700] =	vst v63  }
0xa1: {  	s1 =	simm.s32 @!p0 $0x1  }
0xa2: {  	_ =	swait.ge @!p0 [sflag:s1], $0x4000  }
0xa3: {  	[sflag:s1] =	ssyncset.done @!p0 $0x0  }
0xa4: {  	[sflag:s1] =	ssyncadd.s32 @!p0 $0xFFFFC000  }
0xa5: {  	[spmem:s4] =	stream.indirect.scatter.add.f32 @!p0 [tilespmem:s2], [sflag:$0x5], $0x80, s31, s31, $0xb8;
	[tilespmem:$0x1E700] =	vst v63  }
0xa6: {  	_ =	swait.ge @!p0 [sflag:s3], $0x4000  }
0xa7: {  	[sflag:s3] =	ssyncset.done @!p0 $0x0  }
0xa8: {  	[sflag:s3] =	ssyncadd.s32 @!p0 $0xFFFFC000  }
0xa9: {  	[bflag:$0x0] =	sbarrier.arrive $0xFFFF  }
0xaa: {  	[tilespmem:s22], [sflag:$0x5] =	stream.linear.gather [spmem:s7], $0x4000, $0x38;
	[tilespmem:$0x1E700] =	vst v63  }
0xab: {  	_ =	swait.ge [sflag:s20], $0x4000  }
0xac: {  	[sflag:s20] =	ssyncset.done $0x0  }
0xad: {  	[sflag:s20] =	ssyncadd.s32 $0xFFFFC000  }
0xae: {  	[hbm4b:s14+s5] =	stream.linear.scatter [tilespmem:s22], [sflag:$0x3], $0x4000, $0x38;
	[tilespmem:$0x1E700] =	vst v63  }
0xaf: {  	_ = 	snop  }
0xb0: {  	[tilespmem:s23], [sflag:$0x5] =	stream.linear.gather [spmem:s8], $0x4000, $0x38;
	[tilespmem:$0x1E700] =	vst v63  }
0xb1: {  	_ =	swait.ge [sflag:s20], $0x4000  }
0xb2: {  	[sflag:s20] =	ssyncset.done $0x0  }
0xb3: {  	[sflag:s20] =	ssyncadd.s32 $0xFFFFC000  }
0xb4: {  	[hbm4b:s15+s5] =	stream.linear.scatter [tilespmem:s23], [sflag:$0x4], $0x4000, $0x38;
	[tilespmem:$0x1E700] =	vst v63  }
0xb5: {  	_ =	swait.ge [sflag:s24], $0x4000  }
0xb6: {  	[sflag:s24] =	ssyncset.done $0x0  }
0xb7: {  	[sflag:s24] =	ssyncadd.s32 $0xFFFFC000  }
0xb8: {  	[tilespmem:s22], [sflag:$0x5] =	stream.linear.gather [spmem:s9], $0x4000, $0x38;
	[tilespmem:$0x1E700] =	vst v63  }
0xb9: {  	_ =	swait.ge [sflag:s20], $0x4000  }
0xba: {  	[sflag:s20] =	ssyncset.done $0x0  }
0xbb: {  	[sflag:s20] =	ssyncadd.s32 $0xFFFFC000  }
0xbc: {  	[hbm4b:s16+s5] =	stream.linear.scatter [tilespmem:s22], [sflag:$0x3], $0x4000, $0x38;
	[tilespmem:$0x1E700] =	vst v63  }
0xbd: {  	_ =	swait.ge [sflag:s29], $0x4000  }
0xbe: {  	[sflag:s29] =	ssyncset.done $0x0  }
0xbf: {  	[sflag:s29] =	ssyncadd.s32 $0xFFFFC000  }
0xc0: {  	[tilespmem:s23], [sflag:$0x5] =	stream.linear.gather [spmem:s10], $0x4000, $0x38;
	[tilespmem:$0x1E700] =	vst v63  }
0xc1: {  	_ =	swait.ge [sflag:s20], $0x4000  }
0xc2: {  	[sflag:s20] =	ssyncset.done $0x0  }
0xc3: {  	[sflag:s20] =	ssyncadd.s32 $0xFFFFC000  }
0xc4: {  	[hbm4b:s17+s5] =	stream.linear.scatter [tilespmem:s23], [sflag:$0x4], $0x4000, $0x38;
	[tilespmem:$0x1E700] =	vst v63  }
0xc5: {  	_ =	swait.ge [sflag:s24], $0x4000  }
0xc6: {  	[sflag:s24] =	ssyncset.done $0x0  }
0xc7: {  	[sflag:s24] =	ssyncadd.s32 $0xFFFFC000  }
0xc8: {  	[tilespmem:s22], [sflag:$0x5] =	stream.linear.gather [spmem:s11], $0x4000, $0x38;
	[tilespmem:$0x1E700] =	vst v63  }
0xc9: {  	_ =	swait.ge [sflag:s20], $0x4000  }
0xca: {  	[sflag:s20] =	ssyncset.done $0x0  }
0xcb: {  	s30 =	sadd.s32 $0x1, s30;
	[sflag:s20] =	ssyncadd.s32 $0xFFFFC000  }
0xcc: {  	[hbm4b:s18+s5] =	stream.linear.scatter [tilespmem:s22], [sflag:$0x3], $0x4000, $0x38;
	[tilespmem:$0x1E700] =	vst v63  }
0xcd: {  	p1 =	sne.s32 s30, s19;
	_ =	swait.ge [sflag:s29], $0x4000  }
.Ltmp2:
0xce: {  	[sflag:s29] =	ssyncset.done $0x0;
	(pc) =	sbr.rel @p1 .LBB2_1-.Ltmp2, $4  }
0xcf: {  	[sflag:s29] =	ssyncadd.s32 $0xFFFFC000  }
0xd0: {  	_ =	swait.ge [sflag:s24], $0x4000  }
0xd1: {  	[sflag:s24] =	ssyncset.done $0x0  }
0xd2: {  	[sflag:s24] =	ssyncadd.s32 $0xFFFFC000  }
0xd3: {  	_ =	sfence.sel $0x180000  }
0xd4: {  	[bflag:$0x0] =	sbarrier.arrive $0xFFFF  }
0xd5: {  	_ =	strace $0x90000047  }
0xd6: {  	s0 =	stileid.u32;
	[bflag:$0x2] =	sbarrier.arrive $0xFFFF  }
0xd7: {  	p0 =	sne.s32 s0, $0x0;
	s0 =	rddreg [dreg:$0x5]  }
0xd8: {  	s0 =	sadd.s32 @!p0 $0x100000, s0  }
0xd9: {  	[sflag:s0] =	ssyncadd.tile.s32 @!p0 $0x1;
	_ =	shalt  }
.Lfunc_end2:
_tile_overlayer_lowered:
.L_overlay_start_2:
0xda: {  	(tag) =	ssettag $0x2  }
0xdb: {  	s0 =	rddreg [dreg:$0x0];
	s2 =	stileid.u32  }
0xdc: {  	s1 =	rddreg [dreg:$0x1];
	p0 =	sne.s32 s2, $0x0  }
0xdd: {  	s3 =	rddreg [dreg:$0x2];
	[bflag:$0x3] =	sbarrier.arrive $0xFFFF;
	s2 =	simm.s32 @!p0 $0x1C05  }
0xde: {  	[timem:s3], [sflag:s2] =	dma.local @!p0 [hbm:s0], s1  }
0xdf: {  	s0 =	simm.s32 @!p0 $0x5  }
0xe0: {  	_ =	swait.ge @!p0 [sflag:s0], s1  }
0xe1: {  	s1 =	ssub.s32 @!p0 $0x0, s1;
	[sflag:s0] =	ssyncset.done @!p0 $0x0  }
0xe2: {  	[sflag:s0] =	ssyncadd.s32 @!p0 s1  }
0xe3: {  	[bflag:$0x3] =	sbarrier.arrive $0xFFFF  }
0xe4: {  	_ =	shalt  }

</sc_bundles>
